<compile_context>
chip_gen: v7x
topology: tpu7x:2x2x1
jax: 0.10.2.dev20260603
libtpu: 0.0.44.dev20260713+nightly
codegen_flags: <defaults>
</compile_context>

<pallas_src>
import functools

import jax
import jax.numpy as jnp
from jax import lax
from jax.experimental import pallas as pl
from jax.experimental.pallas import tpu as pltpu
from jax.experimental.pallas import tpu_sc as plsc

B = 32
V = 1000000
W = 32768
NB = 31
WZ = 32384
NBZ = 31
NEG = -1.0e30


def _lane_iota(shape, dim):
    return lax.broadcasted_iota(jnp.int32, shape, dim)



def _p1_kernel(x_ref, o_ref, acc):
    b = pl.program_id(0)

    @pl.when(b == 0)
    def _():
        acc[...] = jnp.full((B, 128), NEG, jnp.float32)

    x = x_ref[...]
    gcol = b * W + _lane_iota((B, W), 1)
    x = jnp.where(gcol < V, x, NEG)
    acc[...] = jnp.maximum(acc[...], jnp.max(x, axis=1, keepdims=True))

    @pl.when(b == NB - 1)
    def _():
        o_ref[...] = jnp.broadcast_to(
            jnp.max(acc[...], axis=1, keepdims=True), (B, 128))


def _pass1(logits):
    return pl.pallas_call(
        _p1_kernel,
        grid=(NB,),
        in_specs=[pl.BlockSpec((B, W), lambda b: (0, b))],
        out_specs=pl.BlockSpec((B, 128), lambda b: (0, 0)),
        out_shape=jax.ShapeDtypeStruct((B, 128), jnp.float32),
        scratch_shapes=[pltpu.VMEM((B, 128), jnp.float32)],
    )(logits)



def _lane_fold_z(acc):
    s = acc[:, 0:8]
    for j in range(1, 16):
        s = s + acc[:, 8 * j:8 * j + 8]
    r = s[:, 0:4] + s[:, 4:8]
    r = r[:, 0:2] + r[:, 2:4]
    return r[:, 0:1] + r[:, 1:2]


def _p2_kernel(x_ref, m_ref, o_ref, zacc, s1acc, e_scr):
    b = pl.program_id(0)

    @pl.when(b == 0)
    def _():
        zacc[...] = jnp.zeros((B, 128), jnp.float32)
        s1acc[...] = jnp.zeros((B, 128), jnp.float32)

    m1 = m_ref[:, 0:1]
    x = x_ref[...]
    gcol = b * WZ + _lane_iota((B, WZ), 1)
    x = jnp.where(gcol < V, x, NEG)
    e = jnp.exp(x - m1)
    e_scr[...] = e

    def body(k, part):
        return part + e_scr[:, pl.ds(k * 128, 128)]

    part = lax.fori_loop(0, WZ // 128, body, jnp.zeros((B, 128), jnp.float32))
    zacc[...] = zacc[...] + part

    s1acc[...] = s1acc[...] + jnp.sum(e * (x - m1), axis=1, keepdims=True)

    @pl.when(b == NBZ - 1)
    def _():
        z = _lane_fold_z(zacc[...])
        logz = jnp.log(z)
        s1 = s1acc[:, 0:1]
        ent = logz - s1 / z
        last_local = (V - 1) - (NBZ - 1) * WZ
        l_last = x_ref[:, last_local:last_local + 1]
        o_ref[...] = jnp.concatenate(
            [z, logz, ent, l_last, jnp.zeros((B, 124), jnp.float32)], axis=1)


def _pass2(logits, m128):
    return pl.pallas_call(
        _p2_kernel,
        grid=(NBZ,),
        in_specs=[
            pl.BlockSpec((B, WZ), lambda b: (0, b)),
            pl.BlockSpec((B, 128), lambda b: (0, 0)),
        ],
        out_specs=pl.BlockSpec((B, 128), lambda b: (0, 0)),
        out_shape=jax.ShapeDtypeStruct((B, 128), jnp.float32),
        scratch_shapes=[
            pltpu.VMEM((B, 128), jnp.float32),
            pltpu.VMEM((B, 128), jnp.float32),
            pltpu.VMEM((B, WZ), jnp.float32),
        ],
    )(logits, m128)



def _seq_prefix_sublanes(v):
    rows = [v[0:1, :]]
    for s in range(1, 128):
        rows.append(rows[-1] + v[s:s + 1, :])
    return jnp.concatenate(rows, axis=0)


def _p3_kernel(x_ref, m_ref, aux_ref, u_ref, of_ref, oi_ref,
               t_scr, st_f, st_i):
    b = pl.program_id(0)

    @pl.when(b == 0)
    def _():
        st_f[...] = jnp.zeros((B, 128), jnp.float32)
        st_i[...] = jnp.zeros((B, 128), jnp.int32)

    m1 = m_ref[:, 0:1]
    z1 = aux_ref[:, 0:1]
    u1 = u_ref[:, 0:1]
    x = x_ref[...]
    gcol = b * W + _lane_iota((B, W), 1)
    x = jnp.where(gcol < V, x, NEG)
    e = jnp.exp(x - m1)
    p = e / z1

    incl = None
    for sg in range(2):
        q = p[:, sg * 16384:(sg + 1) * 16384].reshape(B, 128, 128)
        t_scr[...] = jnp.swapaxes(q, 1, 2)

        def sbody(l, s):
            return s + t_scr[:, l, :]

        s_vec = lax.fori_loop(0, 128, sbody,
                              jnp.zeros((B, 128), jnp.float32))
        l2 = jnp.swapaxes(_seq_prefix_sublanes(jnp.swapaxes(s_vec, 0, 1)),
                          0, 1)
        l3 = st_f[:, 4:5]
        incl = l2 + l3

        fired = st_i[:, 0:1]
        below = (incl < u1).astype(jnp.int32)
        cnt = jnp.sum(below, axis=1, keepdims=True)
        fire = jnp.logical_and(fired == 0, cnt < 128)

        hist = st_f[:, 1:4]
        ext = jnp.concatenate(
            [hist, incl, jnp.zeros((B, 125), jnp.float32)], axis=1)
        lanes = _lane_iota((B, 256), 1)
        g0 = b * 256 + sg * 128
        gs_new = jnp.maximum(g0 + cnt - 2, 0)
        gs_rel = gs_new - g0
        for k in range(4):
            sel = (lanes == (gs_rel + 2 + k)).astype(jnp.float32)
            c4k = jnp.sum(ext * sel, axis=1, keepdims=True)
            st_f[:, 8 + k:9 + k] = jnp.where(fire, c4k, st_f[:, 8 + k:9 + k])
        st_i[:, 1:2] = jnp.where(fire, gs_new, st_i[:, 1:2])
        st_i[:, 0:1] = jnp.where(fire, 1, fired)

        st_f[:, 1:4] = incl[:, 125:128]
        st_f[:, 4:5] = l3 + l2[:, 127:128]

    @pl.when(b == NB - 1)
    def _():
        fired = st_i[:, 0:1]
        st_i[:, 1:2] = jnp.where(fired == 0, jnp.int32(7810), st_i[:, 1:2])
        for k in range(4):
            st_f[:, 8 + k:9 + k] = jnp.where(
                fired == 0, incl[:, 1 + k:2 + k], st_f[:, 8 + k:9 + k])
        of_ref[...] = jnp.concatenate(
            [st_f[:, 8:12], jnp.zeros((B, 124), jnp.float32)], axis=1)
        oi_ref[...] = jnp.concatenate(
            [st_i[:, 1:2], st_i[:, 0:1], jnp.zeros((B, 126), jnp.int32)],
            axis=1)


def _pass3(logits, m128, aux, u128):
    return pl.pallas_call(
        _p3_kernel,
        grid=(NB,),
        in_specs=[
            pl.BlockSpec((B, W), lambda b: (0, b)),
            pl.BlockSpec((B, 128), lambda b: (0, 0)),
            pl.BlockSpec((B, 128), lambda b: (0, 0)),
            pl.BlockSpec((B, 128), lambda b: (0, 0)),
        ],
        out_specs=(
            pl.BlockSpec((B, 128), lambda b: (0, 0)),
            pl.BlockSpec((B, 128), lambda b: (0, 0)),
        ),
        out_shape=(
            jax.ShapeDtypeStruct((B, 128), jnp.float32),
            jax.ShapeDtypeStruct((B, 128), jnp.int32),
        ),
        scratch_shapes=[
            pltpu.VMEM((B, 128, 128), jnp.float32),
            pltpu.VMEM((B, 128), jnp.float32),
            pltpu.VMEM((B, 128), jnp.int32),
        ],
    )(logits, m128, aux, u128)



def _b1_kernel(sA_ref, sgs_ref, a_ref, b_ref, o_ref, w_scr):
    r = pl.program_id(0)
    w_scr[:, 0:1024] = a_ref[...].reshape(1, 1024)
    w_scr[:, 1024:2048] = b_ref[...].reshape(1, 1024)
    off = sgs_ref[r] * 128 - sA_ref[r] * 1024
    o_ref[...] = w_scr[:, pl.ds(off, 512)].reshape(1, 1, 512)


def _passB1(A, gs, logits):
    l3d = logits.reshape(B, 1, V)
    grid_spec = pltpu.PrefetchScalarGridSpec(
        num_scalar_prefetch=2,
        grid=(B,),
        in_specs=[
            pl.BlockSpec((1, 1, 1024), lambda r, sA, sgs: (r, 0, sA[r])),
            pl.BlockSpec((1, 1, 1024), lambda r, sA, sgs: (r, 0, sA[r] + 1)),
        ],
        out_specs=pl.BlockSpec((1, 1, 512), lambda r, sA, sgs: (r, 0, 0)),
        scratch_shapes=[pltpu.VMEM((1, 2048), jnp.float32)],
    )
    out = pl.pallas_call(
        _b1_kernel,
        grid_spec=grid_spec,
        out_shape=jax.ShapeDtypeStruct((B, 1, 512), jnp.float32),
    )(A, gs, l3d, l3d)
    return out.reshape(B, 512)



def _b2_kernel(w_ref, m_ref, aux_ref, u_ref, mf_ref, mi_ref, o_ref, t_scr):
    m1 = m_ref[:, 0:1]
    z1 = aux_ref[:, 0:1]
    u1 = u_ref[:, 0:1]
    gs = mi_ref[:, 0:1]
    carry4 = mf_ref[:, 0:4]

    x = w_ref[...]
    pos = gs * 128 + _lane_iota((B, 512), 1)
    x = jnp.where(pos < V, x, NEG)
    e = jnp.exp(x - m1)
    p = e / z1

    t_scr[...] = jnp.swapaxes(p.reshape(B, 4, 128), 1, 2)
    tvec = jnp.arange(4, dtype=jnp.int32).reshape(1, 4)
    gblk = gs + tvec

    def body(l, carry):
        acc, cnt = carry
        acc = acc + t_scr[:, l, :]
        cdf = acc + carry4
        valid = (gblk * 128 + l) < V
        hit = jnp.logical_and(cdf < u1, valid)
        return acc, cnt + hit.astype(jnp.int32)

    _, cnt = lax.fori_loop(
        0, 128, body,
        (jnp.zeros((B, 4), jnp.float32), jnp.zeros((B, 4), jnp.int32)))
    token = gs * 128 + jnp.sum(cnt, axis=1, keepdims=True)
    token = jnp.clip(token, 0, V - 1)
    o_ref[...] = jnp.concatenate(
        [token, jnp.zeros((B, 127), jnp.int32)], axis=1)


def _passB2(win, m128, aux, u128, metaf, metai):
    shapes = ((B, 512), (B, 128), (B, 128), (B, 128), (B, 128), (B, 128))
    return pl.pallas_call(
        _b2_kernel,
        in_specs=[pl.BlockSpec(s, lambda: (0, 0)) for s in shapes],
        out_specs=pl.BlockSpec((B, 128), lambda: (0, 0)),
        out_shape=jax.ShapeDtypeStruct((B, 128), jnp.int32),
        scratch_shapes=[pltpu.VMEM((B, 128, 4), jnp.float32)],
    )(win, m128, aux, u128, metaf, metai)



def _sc_gather(idx32, mlogz32, flat_logits):
    mesh = plsc.VectorSubcoreMesh(core_axis_name="c", subcore_axis_name="s")

    @functools.partial(
        pl.kernel,
        mesh=mesh,
        out_type=jax.ShapeDtypeStruct((B,), jnp.float32),
        scratch_types=[
            pltpu.VMEM((B,), jnp.int32),
            pltpu.VMEM((B,), jnp.float32),
            pltpu.VMEM((B,), jnp.float32),
            pltpu.VMEM((B,), jnp.float32),
            pltpu.SemaphoreType.DMA,
        ],
    )
    def sc_fn(idx_hbm, mz_hbm, flat_hbm, out_hbm,
              idx_v, mz_v, lv_v, out_v, sem):
        cid = lax.axis_index("c")
        sid = lax.axis_index("s")
        wid = sid * 2 + cid

        @pl.when(wid == 0)
        def _():
            pltpu.sync_copy(idx_hbm, idx_v)
            pltpu.sync_copy(mz_hbm, mz_v)
            pltpu.async_copy(flat_hbm.at[idx_v], lv_v, sem).wait()
            for h in range(2):
                lv = lv_v[pl.ds(h * 16, 16)]
                mz = mz_v[pl.ds(h * 16, 16)]
                out_v[pl.ds(h * 16, 16)] = lv - mz
            pltpu.sync_copy(out_v, out_hbm)

    return sc_fn(idx32, mlogz32, flat_logits)



def kernel(logits, base_samples):
    u128 = jnp.broadcast_to(base_samples[:, None], (B, 128))

    m128 = _pass1(logits)
    aux = _pass2(logits, m128)
    metaf, metai = _pass3(logits, m128, aux, u128)

    gs = metai[:, 0]
    A = jnp.minimum(gs // 8, (V // 1024) - 1).astype(jnp.int32)
    win = _passB1(A, gs.astype(jnp.int32), logits)
    tok128 = _passB2(win, m128, aux, u128, metaf, metai)
    tok = tok128[:, 0]

    idx32 = (jnp.arange(B, dtype=jnp.int32) * V + tok).astype(jnp.int32)
    mlogz = m128[:, 0] + aux[:, 1]
    log_prob = _sc_gather(idx32, mlogz, logits.reshape(-1))

    entropy = aux[:, 2]
    return (tok, entropy, log_prob)

# --- scband reference (transcript-rebuilt; emitter-appended) ---
"""Pipeline reference for scband-tfm-base-59304908423944 (READ-ONLY COPY).

The authoritative reference and input builder live on the scoring server;
editing this copy changes nothing except your own understanding.
"""

import jax, jax.numpy as jnp
import numpy as np

B = 32
V = 1000000


def setup_inputs(seed: int = 0) -> dict:
    key = jax.random.key(seed)
    k1, k2 = jax.random.split(key)
    logits = jax.random.normal(k1, (B, V), dtype=jnp.float32)
    base_samples = jax.random.uniform(k2, (B,), dtype=jnp.float32)
    return {"logits": logits, "base_samples": base_samples}


def reference(logits, base_samples):
    # Faithful translation of TFM_Base.compute_next_token_dist + one SAA sampling
    # step from generate(): softmax over last-token logits, inverse-CDF sample
    # with fixed uniform base samples (rsample_with_base_sample), entropy and
    # log_prob of the sampled token.
    m = jnp.max(logits, axis=-1, keepdims=True)
    e = jnp.exp(logits - m)
    z = jnp.sum(e, axis=-1, keepdims=True)
    probs = e / z
    log_probs_all = (logits - m) - jnp.log(z)
    # SAA inverse-CDF sampling with base samples
    cdf = jnp.cumsum(probs, axis=-1)
    next_tokens = jnp.sum((cdf < base_samples[:, None]).astype(jnp.int32), axis=-1)
    next_tokens = jnp.clip(next_tokens, 0, probs.shape[-1] - 1)
    # Categorical entropy: -sum p * log p
    entropy = -jnp.sum(probs * log_probs_all, axis=-1)
    # log_prob of sampled token (gather over vocab)
    log_prob = jnp.take_along_axis(log_probs_all, next_tokens[:, None], axis=-1)[:, 0]
    return (next_tokens, entropy, log_prob)

if __name__ == "__main__":
    import jax
    _d = setup_inputs()
    print(jax.jit(kernel)(*tuple(_d.values())))

</pallas_src>

<mosaic_0001>
#map = affine_map<(d0, d1) -> (0)>
module attributes {stable_mosaic.version = 14 : i64} {
  func.func @sc_fn(%arg0: i32, %arg1: i32, %arg2: memref<32xi32, #tpu.memory_space<hbm>>, %arg3: memref<32xf32, #tpu.memory_space<hbm>>, %arg4: memref<32000000xf32, #tpu.memory_space<hbm>>, %arg5: memref<32xf32, #tpu.memory_space<hbm>>, %arg6: memref<32xi32, #tpu.memory_space<vmem>>, %arg7: memref<32xf32, #tpu.memory_space<vmem>>, %arg8: memref<32xf32, #tpu.memory_space<vmem>>, %arg9: memref<32xf32, #tpu.memory_space<vmem>>, %arg10: memref<!tpu.dma_semaphore, #tpu.memory_space<semaphore_mem>>) attributes {dimension_semantics = [#tpu.dimension_semantics<core_parallel>, #tpu.dimension_semantics<subcore_parallel>], iteration_bounds = array<i64: 2, 16>, scalar_prefetch = 0 : i64, scratch_operands = 5 : i64, tpu.core_type = #tpu.core_type<sc_vector_subcore>, window_params = [{transform_indices = #map}, {transform_indices = #map}, {transform_indices = #map}, {transform_indices = #map}]} {
    %mul3A = arith.constant 2 : i32
    %mul3A_0 = arith.muli %arg1, %mul3A : i32
    %add3A = arith.addi %mul3A_0, %arg0 : i32
    %eq3A = arith.constant 0 : i32
    %eq3A_1 = arith.cmpi eq, %add3A, %eq3A : i32
    %convert_element_type3A = arith.extui %eq3A_1 : i1 to i32
    %cond3A = arith.constant 0 : i32
    %cond3A_2 = arith.cmpi ne, %convert_element_type3A, %cond3A : i32
    scf.if %cond3A_2 {
      "tpu.region"() ({
        %run_scoped3A = tpu.sem_alloc : memref<!tpu.dma_semaphore, #tpu.memory_space<semaphore_mem>>
        tpu.enqueue_dma source(%arg2 : memref<32xi32, #tpu.memory_space<hbm>>) target(%arg6 : memref<32xi32, #tpu.memory_space<vmem>>) target_semaphore(%run_scoped3A : memref<!tpu.dma_semaphore, #tpu.memory_space<semaphore_mem>>)
        tpu.wait_dma2 semaphore(%run_scoped3A : memref<!tpu.dma_semaphore, #tpu.memory_space<semaphore_mem>>) src(%arg2 : memref<32xi32, #tpu.memory_space<hbm>>) dst(%arg6 : memref<32xi32, #tpu.memory_space<vmem>>)
        tpu.yield
      }) : () -> ()
      "tpu.region"() ({
        %run_scoped3A = tpu.sem_alloc : memref<!tpu.dma_semaphore, #tpu.memory_space<semaphore_mem>>
        tpu.enqueue_dma source(%arg3 : memref<32xf32, #tpu.memory_space<hbm>>) target(%arg7 : memref<32xf32, #tpu.memory_space<vmem>>) target_semaphore(%run_scoped3A : memref<!tpu.dma_semaphore, #tpu.memory_space<semaphore_mem>>)
        tpu.wait_dma2 semaphore(%run_scoped3A : memref<!tpu.dma_semaphore, #tpu.memory_space<semaphore_mem>>) src(%arg3 : memref<32xf32, #tpu.memory_space<hbm>>) dst(%arg7 : memref<32xf32, #tpu.memory_space<vmem>>)
        tpu.yield
      }) : () -> ()
      %dma_start3A = arith.constant 0 : i32
      %dma_start3A_3 = tpu.memref_slice %arg4[%dma_start3A] : memref<32000000xf32, #tpu.memory_space<hbm>> -> memref<32000000xf32, #tpu.memory_space<hbm>>
      tpu.enqueue_indirect_dma source(%dma_start3A_3 : memref<32000000xf32, #tpu.memory_space<hbm>>) target(%arg8 : memref<32xf32, #tpu.memory_space<vmem>>) offsets(%arg6 : memref<32xi32, #tpu.memory_space<vmem>>) semaphore(%arg10 : memref<!tpu.dma_semaphore, #tpu.memory_space<semaphore_mem>>)
      %dma_wait3A = arith.constant 0 : i32
      %dma_wait3A_4 = tpu.memref_slice %arg4[%dma_wait3A] : memref<32000000xf32, #tpu.memory_space<hbm>> -> memref<32000000xf32, #tpu.memory_space<hbm>>
      tpu.wait_indirect_dma semaphore(%arg10 : memref<!tpu.dma_semaphore, #tpu.memory_space<semaphore_mem>>) src(%dma_wait3A_4 : memref<32000000xf32, #tpu.memory_space<hbm>>) dst(%arg8 : memref<32xf32, #tpu.memory_space<vmem>>)
      %get3A = arith.constant 0 : index
      %get3A_5 = tpu.vector_load %arg8[%get3A] {strides = array<i32>} : memref<32xf32, #tpu.memory_space<vmem>>, vector<16xf32>,
      %get3A_6 = vector.shape_cast %get3A_5 : vector<16xf32> to vector<16xf32>
      %get3A_7 = arith.constant 0 : index
      %get3A_8 = tpu.vector_load %arg7[%get3A_7] {strides = array<i32>} : memref<32xf32, #tpu.memory_space<vmem>>, vector<16xf32>,
      %get3A_9 = vector.shape_cast %get3A_8 : vector<16xf32> to vector<16xf32>
      %sub3A = arith.subf %get3A_6, %get3A_9 : vector<16xf32>
      %swap3A = arith.constant 0 : index
      %swap3A_10 = tpu.vector_load %arg9[%swap3A] {strides = array<i32>} : memref<32xf32, #tpu.memory_space<vmem>>, vector<16xf32>,
      %swap3A_11 = vector.shape_cast %swap3A_10 : vector<16xf32> to vector<16xf32>
      %swap3A_12 = vector.shape_cast %sub3A : vector<16xf32> to vector<16xf32>
      tpu.vector_store %arg9[%swap3A], %swap3A_12 {strides = array<i32>} : memref<32xf32, #tpu.memory_space<vmem>>, vector<16xf32>,
      %get3A_13 = arith.constant 16 : index
      %get3A_14 = tpu.vector_load %arg8[%get3A_13] {strides = array<i32>} : memref<32xf32, #tpu.memory_space<vmem>>, vector<16xf32>,
      %get3A_15 = vector.shape_cast %get3A_14 : vector<16xf32> to vector<16xf32>
      %get3A_16 = arith.constant 16 : index
      %get3A_17 = tpu.vector_load %arg7[%get3A_16] {strides = array<i32>} : memref<32xf32, #tpu.memory_space<vmem>>, vector<16xf32>,
      %get3A_18 = vector.shape_cast %get3A_17 : vector<16xf32> to vector<16xf32>
      %sub3A_19 = arith.subf %get3A_15, %get3A_18 : vector<16xf32>
      %swap3A_20 = arith.constant 16 : index
      %swap3A_21 = tpu.vector_load %arg9[%swap3A_20] {strides = array<i32>} : memref<32xf32, #tpu.memory_space<vmem>>, vector<16xf32>,
      %swap3A_22 = vector.shape_cast %swap3A_21 : vector<16xf32> to vector<16xf32>
      %swap3A_23 = vector.shape_cast %sub3A_19 : vector<16xf32> to vector<16xf32>
      tpu.vector_store %arg9[%swap3A_20], %swap3A_23 {strides = array<i32>} : memref<32xf32, #tpu.memory_space<vmem>>, vector<16xf32>,
      "tpu.region"() ({
        %run_scoped3A = tpu.sem_alloc : memref<!tpu.dma_semaphore, #tpu.memory_space<semaphore_mem>>
        tpu.enqueue_dma source(%arg9 : memref<32xf32, #tpu.memory_space<vmem>>) target(%arg5 : memref<32xf32, #tpu.memory_space<hbm>>) target_semaphore(%run_scoped3A : memref<!tpu.dma_semaphore, #tpu.memory_space<semaphore_mem>>)
        tpu.wait_dma2 semaphore(%run_scoped3A : memref<!tpu.dma_semaphore, #tpu.memory_space<semaphore_mem>>) src(%arg9 : memref<32xf32, #tpu.memory_space<vmem>>) dst(%arg5 : memref<32xf32, #tpu.memory_space<hbm>>)
        tpu.yield
      }) : () -> ()
    } else {
    }
    return
  }
}

module attributes {stable_mosaic.version = 14 : i64} {
  func.func @_p2_kernel(%arg0: i32, %arg1: memref<32x32384xf32, #tpu.memory_space<vmem>>, %arg2: memref<32x128xf32, #tpu.memory_space<vmem>>, %arg3: memref<32x128xf32, #tpu.memory_space<vmem>>, %arg4: memref<32x128xf32, #tpu.memory_space<vmem>>, %arg5: memref<32x128xf32, #tpu.memory_space<vmem>>, %arg6: memref<32x32384xf32, #tpu.memory_space<vmem>>) attributes {dimension_semantics = [#tpu.dimension_semantics<arbitrary>], iteration_bounds = array<i64: 31>, scalar_prefetch = 0 : i64, scratch_operands = 3 : i64, tpu.core_type = #tpu.core_type<tc>, window_params = [{transform_indices = @transform_0, window_bounds = array<i64: 32, 32384>}, {pipeline_mode = #tpu.pipeline_mode<synchronous>, transform_indices = @transform_1, window_bounds = array<i64: 32, 128>}, {pipeline_mode = #tpu.pipeline_mode<synchronous>, transform_indices = @transform_2, window_bounds = array<i64: 32, 128>}]} {
    %eq3A = arith.constant 0 : i32
    %eq3A_0 = arith.cmpi eq, %arg0, %eq3A : i32
    %convert_element_type3A = arith.extui %eq3A_0 : i1 to i32
    %cond3A = arith.constant 0 : i32
    %cond3A_1 = arith.cmpi ne, %convert_element_type3A, %cond3A : i32
    scf.if %cond3A_1 {
      %broadcast_in_dim3A_46 = arith.constant 0.000000e+00 : f32
      %broadcast_in_dim3A_47 = vector.broadcast %broadcast_in_dim3A_46 : f32 to vector<32x128xf32>
      %swap3A_48 = arith.constant 0 : index
      %swap3A_49 = arith.constant 0 : index
      %swap3A_50 = vector.load %arg4[%swap3A_48, %swap3A_49] : memref<32x128xf32, #tpu.memory_space<vmem>>, vector<32x128xf32>
      tpu.vector_store %arg4[%swap3A_48, %swap3A_49], %broadcast_in_dim3A_47 {strides = array<i32>} : memref<32x128xf32, #tpu.memory_space<vmem>>, vector<32x128xf32>,
      %broadcast_in_dim3A_51 = arith.constant 0.000000e+00 : f32
      %broadcast_in_dim3A_52 = vector.broadcast %broadcast_in_dim3A_51 : f32 to vector<32x128xf32>
      %swap3A_53 = arith.constant 0 : index
      %swap3A_54 = arith.constant 0 : index
      %swap3A_55 = vector.load %arg5[%swap3A_53, %swap3A_54] : memref<32x128xf32, #tpu.memory_space<vmem>>, vector<32x128xf32>
      tpu.vector_store %arg5[%swap3A_53, %swap3A_54], %broadcast_in_dim3A_52 {strides = array<i32>} : memref<32x128xf32, #tpu.memory_space<vmem>>, vector<32x128xf32>,
    } else {
    }
    %get3A = arith.constant 0 : index
    %get3A_2 = arith.constant 0 : index
    %get3A_3 = vector.load %arg2[%get3A, %get3A_2] : memref<32x128xf32, #tpu.memory_space<vmem>>, vector<32x1xf32>
    %get3A_4 = arith.constant 0 : index
    %get3A_5 = arith.constant 0 : index
    %get3A_6 = vector.load %arg1[%get3A_4, %get3A_5] : memref<32x32384xf32, #tpu.memory_space<vmem>>, vector<32x32384xf32>
    %mul3A = arith.constant 32384 : i32
    %mul3A_7 = arith.muli %arg0, %mul3A : i32
    %iota3A = tpu.iota {dimensions = array<i32: 1>} : vector<32x32384xi32>
    %add3A = vector.broadcast %mul3A_7 : i32 to vector<32x32384xi32>
    %add3A_8 = arith.addi %add3A, %iota3A : vector<32x32384xi32>
    %lt3A = arith.constant 1000000 : i32
    %lt3A_9 = vector.broadcast %lt3A : i32 to vector<32x32384xi32>
    %lt3A_10 = arith.cmpi slt, %add3A_8, %lt3A_9 : vector<32x32384xi32>
    %jit3A = arith.constant -1.000000e+30 : f32
    %broadcast_in_dim3A = vector.broadcast %jit3A : f32 to vector<32x32384xf32>
    %select_n3A = arith.select %lt3A_10, %get3A_6, %broadcast_in_dim3A : vector<32x32384xi1>, vector<32x32384xf32>
    %sub3A = vector.broadcast %get3A_3 : vector<32x1xf32> to vector<32x32384xf32>
    %sub3A_11 = arith.subf %select_n3A, %sub3A : vector<32x32384xf32>
    %exp3A = math.exp %sub3A_11 : vector<32x32384xf32>
    %swap3A = arith.constant 0 : index
    %swap3A_12 = arith.constant 0 : index
    %swap3A_13 = vector.load %arg6[%swap3A, %swap3A_12] : memref<32x32384xf32, #tpu.memory_space<vmem>>, vector<32x32384xf32>
    tpu.vector_store %arg6[%swap3A, %swap3A_12], %exp3A {strides = array<i32>} : memref<32x32384xf32, #tpu.memory_space<vmem>>, vector<32x32384xf32>,
    %broadcast_in_dim3A_14 = arith.constant 0.000000e+00 : f32
    %broadcast_in_dim3A_15 = vector.broadcast %broadcast_in_dim3A_14 : f32 to vector<32x128xf32>
    %scan3A = arith.constant 0 : i32
    %scan3A_16 = arith.constant 253 : i32
    %scan3A_17 = arith.addi %scan3A, %scan3A_16 : i32
    %scan3A_18 = arith.constant 1 : i32
    %scan3A_19 = scf.for %scan3A_46 = %scan3A to %scan3A_17 step %scan3A_18 iter_args(%scan3A_47 = %broadcast_in_dim3A_15) -> (vector<32x128xf32>)  : i32 {
      %mul3A_48 = arith.constant 128 : i32
      %mul3A_49 = arith.muli %scan3A_46, %mul3A_48 : i32
      %get3A_50 = arith.constant 0 : index
      %get3A_51 = arith.index_cast %mul3A_49 : i32 to index
      %get3A_52 = vector.load %arg6[%get3A_50, %get3A_51] : memref<32x32384xf32, #tpu.memory_space<vmem>>, vector<32x128xf32>
      %add3A_53 = arith.addf %scan3A_47, %get3A_52 : vector<32x128xf32>
      scf.yield %add3A_53 : vector<32x128xf32>
    }
    %scan3A_20 = arith.constant 253 : i32
    %get3A_21 = arith.constant 0 : index
    %get3A_22 = arith.constant 0 : index
    %get3A_23 = vector.load %arg4[%get3A_21, %get3A_22] : memref<32x128xf32, #tpu.memory_space<vmem>>, vector<32x128xf32>
    %add3A_24 = arith.addf %get3A_23, %scan3A_19 : vector<32x128xf32>
    %swap3A_25 = arith.constant 0 : index
    %swap3A_26 = arith.constant 0 : index
    %swap3A_27 = vector.load %arg4[%swap3A_25, %swap3A_26] : memref<32x128xf32, #tpu.memory_space<vmem>>, vector<32x128xf32>
    tpu.vector_store %arg4[%swap3A_25, %swap3A_26], %add3A_24 {strides = array<i32>} : memref<32x128xf32, #tpu.memory_space<vmem>>, vector<32x128xf32>,
    %get3A_28 = arith.constant 0 : index
    %get3A_29 = arith.constant 0 : index
    %get3A_30 = vector.load %arg5[%get3A_28, %get3A_29] : memref<32x128xf32, #tpu.memory_space<vmem>>, vector<32x128xf32>
    %sub3A_31 = vector.broadcast %get3A_3 : vector<32x1xf32> to vector<32x32384xf32>
    %sub3A_32 = arith.subf %select_n3A, %sub3A_31 : vector<32x32384xf32>
    %mul3A_33 = arith.mulf %exp3A, %sub3A_32 : vector<32x32384xf32>
    %reduce_sum3A = arith.constant dense<0.000000e+00> : vector<32xf32>
    %reduce_sum3A_34 = vector.multi_reduction <add>, %mul3A_33, %reduce_sum3A [1] : vector<32x32384xf32> to vector<32xf32>
    %broadcast_in_dim3A_35 = vector.shape_cast %reduce_sum3A_34 : vector<32xf32> to vector<32x1xf32>
    %add3A_36 = vector.broadcast %broadcast_in_dim3A_35 : vector<32x1xf32> to vector<32x128xf32>
    %add3A_37 = arith.addf %get3A_30, %add3A_36 : vector<32x128xf32>
    %swap3A_38 = arith.constant 0 : index
    %swap3A_39 = arith.constant 0 : index
    %swap3A_40 = vector.load %arg5[%swap3A_38, %swap3A_39] : memref<32x128xf32, #tpu.memory_space<vmem>>, vector<32x128xf32>
    tpu.vector_store %arg5[%swap3A_38, %swap3A_39], %add3A_37 {strides = array<i32>} : memref<32x128xf32, #tpu.memory_space<vmem>>, vector<32x128xf32>,
    %eq3A_41 = arith.constant 30 : i32
    %eq3A_42 = arith.cmpi eq, %arg0, %eq3A_41 : i32
    %convert_element_type3A_43 = arith.extui %eq3A_42 : i1 to i32
    %cond3A_44 = arith.constant 0 : i32
    %cond3A_45 = arith.cmpi ne, %convert_element_type3A_43, %cond3A_44 : i32
    scf.if %cond3A_45 {
      %get3A_46 = arith.constant 0 : index
      %get3A_47 = arith.constant 0 : index
      %get3A_48 = vector.load %arg4[%get3A_46, %get3A_47] : memref<32x128xf32, #tpu.memory_space<vmem>>, vector<32x128xf32>
      %slice3A = vector.extract_strided_slice %get3A_48 {offsets = [0, 0], sizes = [32, 8], strides = [1, 1]} : vector<32x128xf32> to vector<32x8xf32>
      %slice3A_49 = vector.extract_strided_slice %get3A_48 {offsets = [0, 8], sizes = [32, 8], strides = [1, 1]} : vector<32x128xf32> to vector<32x8xf32>
      %add3A_50 = arith.addf %slice3A, %slice3A_49 : vector<32x8xf32>
      %slice3A_51 = vector.extract_strided_slice %get3A_48 {offsets = [0, 16], sizes = [32, 8], strides = [1, 1]} : vector<32x128xf32> to vector<32x8xf32>
      %add3A_52 = arith.addf %add3A_50, %slice3A_51 : vector<32x8xf32>
      %slice3A_53 = vector.extract_strided_slice %get3A_48 {offsets = [0, 24], sizes = [32, 8], strides = [1, 1]} : vector<32x128xf32> to vector<32x8xf32>
      %add3A_54 = arith.addf %add3A_52, %slice3A_53 : vector<32x8xf32>
      %slice3A_55 = vector.extract_strided_slice %get3A_48 {offsets = [0, 32], sizes = [32, 8], strides = [1, 1]} : vector<32x128xf32> to vector<32x8xf32>
      %add3A_56 = arith.addf %add3A_54, %slice3A_55 : vector<32x8xf32>
      %slice3A_57 = vector.extract_strided_slice %get3A_48 {offsets = [0, 40], sizes = [32, 8], strides = [1, 1]} : vector<32x128xf32> to vector<32x8xf32>
      %add3A_58 = arith.addf %add3A_56, %slice3A_57 : vector<32x8xf32>
      %slice3A_59 = vector.extract_strided_slice %get3A_48 {offsets = [0, 48], sizes = [32, 8], strides = [1, 1]} : vector<32x128xf32> to vector<32x8xf32>
      %add3A_60 = arith.addf %add3A_58, %slice3A_59 : vector<32x8xf32>
      %slice3A_61 = vector.extract_strided_slice %get3A_48 {offsets = [0, 56], sizes = [32, 8], strides = [1, 1]} : vector<32x128xf32> to vector<32x8xf32>
      %add3A_62 = arith.addf %add3A_60, %slice3A_61 : vector<32x8xf32>
      %slice3A_63 = vector.extract_strided_slice %get3A_48 {offsets = [0, 64], sizes = [32, 8], strides = [1, 1]} : vector<32x128xf32> to vector<32x8xf32>
      %add3A_64 = arith.addf %add3A_62, %slice3A_63 : vector<32x8xf32>
      %slice3A_65 = vector.extract_strided_slice %get3A_48 {offsets = [0, 72], sizes = [32, 8], strides = [1, 1]} : vector<32x128xf32> to vector<32x8xf32>
      %add3A_66 = arith.addf %add3A_64, %slice3A_65 : vector<32x8xf32>
      %slice3A_67 = vector.extract_strided_slice %get3A_48 {offsets = [0, 80], sizes = [32, 8], strides = [1, 1]} : vector<32x128xf32> to vector<32x8xf32>
      %add3A_68 = arith.addf %add3A_66, %slice3A_67 : vector<32x8xf32>
      %slice3A_69 = vector.extract_strided_slice %get3A_48 {offsets = [0, 88], sizes = [32, 8], strides = [1, 1]} : vector<32x128xf32> to vector<32x8xf32>
      %add3A_70 = arith.addf %add3A_68, %slice3A_69 : vector<32x8xf32>
      %slice3A_71 = vector.extract_strided_slice %get3A_48 {offsets = [0, 96], sizes = [32, 8], strides = [1, 1]} : vector<32x128xf32> to vector<32x8xf32>
      %add3A_72 = arith.addf %add3A_70, %slice3A_71 : vector<32x8xf32>
      %slice3A_73 = vector.extract_strided_slice %get3A_48 {offsets = [0, 104], sizes = [32, 8], strides = [1, 1]} : vector<32x128xf32> to vector<32x8xf32>
      %add3A_74 = arith.addf %add3A_72, %slice3A_73 : vector<32x8xf32>
      %slice3A_75 = vector.extract_strided_slice %get3A_48 {offsets = [0, 112], sizes = [32, 8], strides = [1, 1]} : vector<32x128xf32> to vector<32x8xf32>
      %add3A_76 = arith.addf %add3A_74, %slice3A_75 : vector<32x8xf32>
      %slice3A_77 = vector.extract_strided_slice %get3A_48 {offsets = [0, 120], sizes = [32, 8], strides = [1, 1]} : vector<32x128xf32> to vector<32x8xf32>
      %add3A_78 = arith.addf %add3A_76, %slice3A_77 : vector<32x8xf32>
      %slice3A_79 = vector.extract_strided_slice %add3A_78 {offsets = [0, 0], sizes = [32, 4], strides = [1, 1]} : vector<32x8xf32> to vector<32x4xf32>
      %slice3A_80 = vector.extract_strided_slice %add3A_78 {offsets = [0, 4], sizes = [32, 4], strides = [1, 1]} : vector<32x8xf32> to vector<32x4xf32>
      %add3A_81 = arith.addf %slice3A_79, %slice3A_80 : vector<32x4xf32>
      %slice3A_82 = vector.extract_strided_slice %add3A_81 {offsets = [0, 0], sizes = [32, 2], strides = [1, 1]} : vector<32x4xf32> to vector<32x2xf32>
      %slice3A_83 = vector.extract_strided_slice %add3A_81 {offsets = [0, 2], sizes = [32, 2], strides = [1, 1]} : vector<32x4xf32> to vector<32x2xf32>
      %add3A_84 = arith.addf %slice3A_82, %slice3A_83 : vector<32x2xf32>
      %slice3A_85 = vector.extract_strided_slice %add3A_84 {offsets = [0, 0], sizes = [32, 1], strides = [1, 1]} : vector<32x2xf32> to vector<32x1xf32>
      %slice3A_86 = vector.extract_strided_slice %add3A_84 {offsets = [0, 1], sizes = [32, 1], strides = [1, 1]} : vector<32x2xf32> to vector<32x1xf32>
      %add3A_87 = arith.addf %slice3A_85, %slice3A_86 : vector<32x1xf32>
      %log3A = math.log %add3A_87 : vector<32x1xf32>
      %get3A_88 = arith.constant 0 : index
      %get3A_89 = arith.constant 0 : index
      %get3A_90 = vector.load %arg5[%get3A_88, %get3A_89] : memref<32x128xf32, #tpu.memory_space<vmem>>, vector<32x1xf32>
      %div3A = arith.divf %get3A_90, %add3A_87 : vector<32x1xf32>
      %sub3A_91 = arith.subf %log3A, %div3A : vector<32x1xf32>
      %get3A_92 = arith.constant 0 : index
      %get3A_93 = arith.constant 28479 : index
      %get3A_94 = vector.load %arg1[%get3A_92, %get3A_93] : memref<32x32384xf32, #tpu.memory_space<vmem>>, vector<32x1xf32>
      %broadcast_in_dim3A_95 = arith.constant 0.000000e+00 : f32
      %broadcast_in_dim3A_96 = vector.broadcast %broadcast_in_dim3A_95 : f32 to vector<32x124xf32>
      %concatenate3A = tpu.concatenate %add3A_87, %log3A, %sub3A_91, %get3A_94, %broadcast_in_dim3A_96 in 1 : vector<32x1xf32>, vector<32x1xf32>, vector<32x1xf32>, vector<32x1xf32>, vector<32x124xf32> -> vector<32x128xf32>
      %swap3A_97 = arith.constant 0 : index
      %swap3A_98 = arith.constant 0 : index
      %swap3A_99 = vector.load %arg3[%swap3A_97, %swap3A_98] : memref<32x128xf32, #tpu.memory_space<vmem>>, vector<32x128xf32>
      tpu.vector_store %arg3[%swap3A_97, %swap3A_98], %concatenate3A {strides = array<i32>} : memref<32x128xf32, #tpu.memory_space<vmem>>, vector<32x128xf32>,
    } else {
    }
    return
  }
  func.func @transform_0(%arg0: i32) -> (i32, i32) {
    %c0_i32 = arith.constant 0 : i32
    %c0_i32_0 = arith.constant 0 : i32
    return %c0_i32, %arg0 : i32, i32
  }
  func.func @transform_1(%arg0: i32) -> (i32, i32) {
    %c0_i32 = arith.constant 0 : i32
    %c0_i32_0 = arith.constant 0 : i32
    %c0_i32_1 = arith.constant 0 : i32
    return %c0_i32, %c0_i32_0 : i32, i32
  }
  func.func @transform_2(%arg0: i32) -> (i32, i32) {
    %c0_i32 = arith.constant 0 : i32
    %c0_i32_0 = arith.constant 0 : i32
    %c0_i32_1 = arith.constant 0 : i32
    return %c0_i32, %c0_i32_0 : i32, i32
  }
}

module attributes {stable_mosaic.version = 14 : i64} {
  func.func @_p1_kernel(%arg0: i32, %arg1: memref<32x32768xf32, #tpu.memory_space<vmem>>, %arg2: memref<32x128xf32, #tpu.memory_space<vmem>>, %arg3: memref<32x128xf32, #tpu.memory_space<vmem>>) attributes {dimension_semantics = [#tpu.dimension_semantics<arbitrary>], iteration_bounds = array<i64: 31>, scalar_prefetch = 0 : i64, scratch_operands = 1 : i64, tpu.core_type = #tpu.core_type<tc>, window_params = [{transform_indices = @transform_0, window_bounds = array<i64: 32, 32768>}, {pipeline_mode = #tpu.pipeline_mode<synchronous>, transform_indices = @transform_1, window_bounds = array<i64: 32, 128>}]} {
    %eq3A = arith.constant 0 : i32
    %eq3A_0 = arith.cmpi eq, %arg0, %eq3A : i32
    %convert_element_type3A = arith.extui %eq3A_0 : i1 to i32
    %cond3A = arith.constant 0 : i32
    %cond3A_1 = arith.cmpi ne, %convert_element_type3A, %cond3A : i32
    scf.if %cond3A_1 {
      %broadcast_in_dim3A_21 = arith.constant -1.000000e+30 : f32
      %broadcast_in_dim3A_22 = vector.broadcast %broadcast_in_dim3A_21 : f32 to vector<32x128xf32>
      %swap3A_23 = arith.constant 0 : index
      %swap3A_24 = arith.constant 0 : index
      %swap3A_25 = vector.load %arg3[%swap3A_23, %swap3A_24] : memref<32x128xf32, #tpu.memory_space<vmem>>, vector<32x128xf32>
      tpu.vector_store %arg3[%swap3A_23, %swap3A_24], %broadcast_in_dim3A_22 {strides = array<i32>} : memref<32x128xf32, #tpu.memory_space<vmem>>, vector<32x128xf32>,
    } else {
    }
    %get3A = arith.constant 0 : index
    %get3A_2 = arith.constant 0 : index
    %get3A_3 = vector.load %arg1[%get3A, %get3A_2] : memref<32x32768xf32, #tpu.memory_space<vmem>>, vector<32x32768xf32>
    %mul3A = arith.constant 32768 : i32
    %mul3A_4 = arith.muli %arg0, %mul3A : i32
    %iota3A = tpu.iota {dimensions = array<i32: 1>} : vector<32x32768xi32>
    %add3A = vector.broadcast %mul3A_4 : i32 to vector<32x32768xi32>
    %add3A_5 = arith.addi %add3A, %iota3A : vector<32x32768xi32>
    %lt3A = arith.constant 1000000 : i32
    %lt3A_6 = vector.broadcast %lt3A : i32 to vector<32x32768xi32>
    %lt3A_7 = arith.cmpi slt, %add3A_5, %lt3A_6 : vector<32x32768xi32>
    %jit3A = arith.constant -1.000000e+30 : f32
    %broadcast_in_dim3A = vector.broadcast %jit3A : f32 to vector<32x32768xf32>
    %select_n3A = arith.select %lt3A_7, %get3A_3, %broadcast_in_dim3A : vector<32x32768xi1>, vector<32x32768xf32>
    %get3A_8 = arith.constant 0 : index
    %get3A_9 = arith.constant 0 : index
    %get3A_10 = vector.load %arg3[%get3A_8, %get3A_9] : memref<32x128xf32, #tpu.memory_space<vmem>>, vector<32x128xf32>
    %reduce_max3A = arith.constant dense<0xFF800000> : vector<32xf32>
    %reduce_max3A_11 = vector.multi_reduction <maximumf>, %select_n3A, %reduce_max3A [1] : vector<32x32768xf32> to vector<32xf32>
    %broadcast_in_dim3A_12 = vector.shape_cast %reduce_max3A_11 : vector<32xf32> to vector<32x1xf32>
    %max3A = vector.broadcast %broadcast_in_dim3A_12 : vector<32x1xf32> to vector<32x128xf32>
    %max3A_13 = arith.maximumf %get3A_10, %max3A : vector<32x128xf32>
    %swap3A = arith.constant 0 : index
    %swap3A_14 = arith.constant 0 : index
    %swap3A_15 = vector.load %arg3[%swap3A, %swap3A_14] : memref<32x128xf32, #tpu.memory_space<vmem>>, vector<32x128xf32>
    tpu.vector_store %arg3[%swap3A, %swap3A_14], %max3A_13 {strides = array<i32>} : memref<32x128xf32, #tpu.memory_space<vmem>>, vector<32x128xf32>,
    %eq3A_16 = arith.constant 30 : i32
    %eq3A_17 = arith.cmpi eq, %arg0, %eq3A_16 : i32
    %convert_element_type3A_18 = arith.extui %eq3A_17 : i1 to i32
    %cond3A_19 = arith.constant 0 : i32
    %cond3A_20 = arith.cmpi ne, %convert_element_type3A_18, %cond3A_19 : i32
    scf.if %cond3A_20 {
      %get3A_21 = arith.constant 0 : index
      %get3A_22 = arith.constant 0 : index
      %get3A_23 = vector.load %arg3[%get3A_21, %get3A_22] : memref<32x128xf32, #tpu.memory_space<vmem>>, vector<32x128xf32>
      %reduce_max3A_24 = arith.constant dense<0xFF800000> : vector<32xf32>
      %reduce_max3A_25 = vector.multi_reduction <maximumf>, %get3A_23, %reduce_max3A_24 [1] : vector<32x128xf32> to vector<32xf32>
      %broadcast_in_dim3A_26 = vector.shape_cast %reduce_max3A_25 : vector<32xf32> to vector<32x1xf32>
      %broadcast_in_dim3A_27 = vector.shape_cast %broadcast_in_dim3A_26 : vector<32x1xf32> to vector<32x1xf32>
      %broadcast_in_dim3A_28 = vector.broadcast %broadcast_in_dim3A_27 : vector<32x1xf32> to vector<32x128xf32>
      %swap3A_29 = arith.constant 0 : index
      %swap3A_30 = arith.constant 0 : index
      %swap3A_31 = vector.load %arg2[%swap3A_29, %swap3A_30] : memref<32x128xf32, #tpu.memory_space<vmem>>, vector<32x128xf32>
      tpu.vector_store %arg2[%swap3A_29, %swap3A_30], %broadcast_in_dim3A_28 {strides = array<i32>} : memref<32x128xf32, #tpu.memory_space<vmem>>, vector<32x128xf32>,
    } else {
    }
    return
  }
  func.func @transform_0(%arg0: i32) -> (i32, i32) {
    %c0_i32 = arith.constant 0 : i32
    %c0_i32_0 = arith.constant 0 : i32
    return %c0_i32, %arg0 : i32, i32
  }
  func.func @transform_1(%arg0: i32) -> (i32, i32) {
    %c0_i32 = arith.constant 0 : i32
    %c0_i32_0 = arith.constant 0 : i32
    %c0_i32_1 = arith.constant 0 : i32
    return %c0_i32, %c0_i32_0 : i32, i32
  }
}

module attributes {stable_mosaic.version = 14 : i64} {
  func.func @_b1_kernel(%arg0: i32, %arg1: memref<32xi32, #tpu.memory_space<smem>>, %arg2: memref<32xi32, #tpu.memory_space<smem>>, %arg3: memref<1x1x1024xf32, #tpu.memory_space<vmem>>, %arg4: memref<1x1x1024xf32, #tpu.memory_space<vmem>>, %arg5: memref<1x1x512xf32, #tpu.memory_space<vmem>>, %arg6: memref<1x2048xf32, #tpu.memory_space<vmem>>) attributes {dimension_semantics = [#tpu.dimension_semantics<arbitrary>], iteration_bounds = array<i64: 32>, scalar_prefetch = 2 : i64, scratch_operands = 1 : i64, tpu.core_type = #tpu.core_type<tc>, window_params = [{transform_indices = @transform_0, window_bounds = array<i64: 1, 1, 1024>}, {transform_indices = @transform_1, window_bounds = array<i64: 1, 1, 1024>}, {transform_indices = @transform_2, window_bounds = array<i64: 1, 1, 512>}]} {
    %get3A = arith.constant 0 : index
    %get3A_0 = arith.constant 0 : index
    %get3A_1 = arith.constant 0 : index
    %get3A_2 = vector.load %arg3[%get3A, %get3A_0, %get3A_1] : memref<1x1x1024xf32, #tpu.memory_space<vmem>>, vector<1x1x1024xf32>
    %reshape3A = vector.shape_cast %get3A_2 : vector<1x1x1024xf32> to vector<1x1024xf32>
    %swap3A = arith.constant 0 : index
    %swap3A_3 = arith.constant 0 : index
    %swap3A_4 = vector.load %arg6[%swap3A, %swap3A_3] : memref<1x2048xf32, #tpu.memory_space<vmem>>, vector<1x1024xf32>
    tpu.vector_store %arg6[%swap3A, %swap3A_3], %reshape3A {strides = array<i32>} : memref<1x2048xf32, #tpu.memory_space<vmem>>, vector<1x1024xf32>,
    %get3A_5 = arith.constant 0 : index
    %get3A_6 = arith.constant 0 : index
    %get3A_7 = arith.constant 0 : index
    %get3A_8 = vector.load %arg4[%get3A_5, %get3A_6, %get3A_7] : memref<1x1x1024xf32, #tpu.memory_space<vmem>>, vector<1x1x1024xf32>
    %reshape3A_9 = vector.shape_cast %get3A_8 : vector<1x1x1024xf32> to vector<1x1024xf32>
    %swap3A_10 = arith.constant 0 : index
    %swap3A_11 = arith.constant 1024 : index
    %swap3A_12 = vector.load %arg6[%swap3A_10, %swap3A_11] : memref<1x2048xf32, #tpu.memory_space<vmem>>, vector<1x1024xf32>
    tpu.vector_store %arg6[%swap3A_10, %swap3A_11], %reshape3A_9 {strides = array<i32>} : memref<1x2048xf32, #tpu.memory_space<vmem>>, vector<1x1024xf32>,
    %get3A_13 = arith.index_cast %arg0 : i32 to index
    %get3A_14 = memref.load %arg2[%get3A_13] : memref<32xi32, #tpu.memory_space<smem>>
    %mul3A = arith.constant 128 : i32
    %mul3A_15 = arith.muli %get3A_14, %mul3A : i32
    %get3A_16 = arith.index_cast %arg0 : i32 to index
    %get3A_17 = memref.load %arg1[%get3A_16] : memref<32xi32, #tpu.memory_space<smem>>
    %mul3A_18 = arith.constant 1024 : i32
    %mul3A_19 = arith.muli %get3A_17, %mul3A_18 : i32
    %sub3A = arith.subi %mul3A_15, %mul3A_19 : i32
    %get3A_20 = arith.constant 0 : index
    %get3A_21 = arith.index_cast %sub3A : i32 to index
    %get3A_22 = vector.load %arg6[%get3A_20, %get3A_21] : memref<1x2048xf32, #tpu.memory_space<vmem>>, vector<1x512xf32>
    %reshape3A_23 = vector.shape_cast %get3A_22 : vector<1x512xf32> to vector<1x1x512xf32>
    %swap3A_24 = arith.constant 0 : index
    %swap3A_25 = arith.constant 0 : index
    %swap3A_26 = arith.constant 0 : index
    %swap3A_27 = vector.load %arg5[%swap3A_24, %swap3A_25, %swap3A_26] : memref<1x1x512xf32, #tpu.memory_space<vmem>>, vector<1x1x512xf32>
    tpu.vector_store %arg5[%swap3A_24, %swap3A_25, %swap3A_26], %reshape3A_23 {strides = array<i32>} : memref<1x1x512xf32, #tpu.memory_space<vmem>>, vector<1x1x512xf32>,
    return
  }
  func.func @transform_0(%arg0: i32, %arg1: memref<32xi32, #tpu.memory_space<smem>>, %arg2: memref<32xi32, #tpu.memory_space<smem>>) -> (i32, i32, i32) {
    %get3A = arith.index_cast %arg0 : i32 to index
    %get3A_0 = memref.load %arg1[%get3A] : memref<32xi32, #tpu.memory_space<smem>>
    %c0_i32 = arith.constant 0 : i32
    %c0_i32_1 = arith.constant 0 : i32
    return %arg0, %c0_i32, %get3A_0 : i32, i32, i32
  }
  func.func @transform_1(%arg0: i32, %arg1: memref<32xi32, #tpu.memory_space<smem>>, %arg2: memref<32xi32, #tpu.memory_space<smem>>) -> (i32, i32, i32) {
    %get3A = arith.index_cast %arg0 : i32 to index
    %get3A_0 = memref.load %arg1[%get3A] : memref<32xi32, #tpu.memory_space<smem>>
    %add3A = arith.constant 1 : i32
    %add3A_1 = arith.addi %get3A_0, %add3A : i32
    %c0_i32 = arith.constant 0 : i32
    %c0_i32_2 = arith.constant 0 : i32
    return %arg0, %c0_i32, %add3A_1 : i32, i32, i32
  }
  func.func @transform_2(%arg0: i32, %arg1: memref<32xi32, #tpu.memory_space<smem>>, %arg2: memref<32xi32, #tpu.memory_space<smem>>) -> (i32, i32, i32) {
    %c0_i32 = arith.constant 0 : i32
    %c0_i32_0 = arith.constant 0 : i32
    %c0_i32_1 = arith.constant 0 : i32
    return %arg0, %c0_i32, %c0_i32_0 : i32, i32, i32
  }
}

module attributes {stable_mosaic.version = 14 : i64} {
  func.func @_b2_kernel(%arg0: memref<32x512xf32, #tpu.memory_space<vmem>>, %arg1: memref<32x128xf32, #tpu.memory_space<vmem>>, %arg2: memref<32x128xf32, #tpu.memory_space<vmem>>, %arg3: memref<32x128xf32, #tpu.memory_space<vmem>>, %arg4: memref<32x128xf32, #tpu.memory_space<vmem>>, %arg5: memref<32x128xi32, #tpu.memory_space<vmem>>, %arg6: memref<32x128xi32, #tpu.memory_space<vmem>>, %arg7: memref<32x128x4xf32, #tpu.memory_space<vmem>>) attributes {dimension_semantics = [], scalar_prefetch = 0 : i64, scratch_operands = 1 : i64, tpu.core_type = #tpu.core_type<tc>} {
    %get3A = arith.constant 0 : index
    %get3A_0 = arith.constant 0 : index
    %get3A_1 = vector.load %arg1[%get3A, %get3A_0] : memref<32x128xf32, #tpu.memory_space<vmem>>, vector<32x1xf32>
    %get3A_2 = arith.constant 0 : index
    %get3A_3 = arith.constant 0 : index
    %get3A_4 = vector.load %arg2[%get3A_2, %get3A_3] : memref<32x128xf32, #tpu.memory_space<vmem>>, vector<32x1xf32>
    %get3A_5 = arith.constant 0 : index
    %get3A_6 = arith.constant 0 : index
    %get3A_7 = vector.load %arg3[%get3A_5, %get3A_6] : memref<32x128xf32, #tpu.memory_space<vmem>>, vector<32x1xf32>
    %get3A_8 = arith.constant 0 : index
    %get3A_9 = arith.constant 0 : index
    %get3A_10 = vector.load %arg5[%get3A_8, %get3A_9] : memref<32x128xi32, #tpu.memory_space<vmem>>, vector<32x1xi32>
    %get3A_11 = arith.constant 0 : index
    %get3A_12 = arith.constant 0 : index
    %get3A_13 = vector.load %arg4[%get3A_11, %get3A_12] : memref<32x128xf32, #tpu.memory_space<vmem>>, vector<32x4xf32>
    %get3A_14 = arith.constant 0 : index
    %get3A_15 = arith.constant 0 : index
    %get3A_16 = vector.load %arg0[%get3A_14, %get3A_15] : memref<32x512xf32, #tpu.memory_space<vmem>>, vector<32x512xf32>
    %mul3A = arith.constant 128 : i32
    %mul3A_17 = vector.broadcast %mul3A : i32 to vector<32x1xi32>
    %mul3A_18 = arith.muli %get3A_10, %mul3A_17 : vector<32x1xi32>
    %iota3A = tpu.iota {dimensions = array<i32: 1>} : vector<32x512xi32>
    %add3A = vector.broadcast %mul3A_18 : vector<32x1xi32> to vector<32x512xi32>
    %add3A_19 = arith.addi %add3A, %iota3A : vector<32x512xi32>
    %lt3A = arith.constant 1000000 : i32
    %lt3A_20 = vector.broadcast %lt3A : i32 to vector<32x512xi32>
    %lt3A_21 = arith.cmpi slt, %add3A_19, %lt3A_20 : vector<32x512xi32>
    %jit3A = arith.constant -1.000000e+30 : f32
    %broadcast_in_dim3A = vector.broadcast %jit3A : f32 to vector<32x512xf32>
    %select_n3A = arith.select %lt3A_21, %get3A_16, %broadcast_in_dim3A : vector<32x512xi1>, vector<32x512xf32>
    %sub3A = vector.broadcast %get3A_1 : vector<32x1xf32> to vector<32x512xf32>
    %sub3A_22 = arith.subf %select_n3A, %sub3A : vector<32x512xf32>
    %exp3A = math.exp %sub3A_22 : vector<32x512xf32>
    %div3A = vector.broadcast %get3A_4 : vector<32x1xf32> to vector<32x512xf32>
    %div3A_23 = arith.divf %exp3A, %div3A : vector<32x512xf32>
    %reshape3A = vector.shape_cast %div3A_23 : vector<32x512xf32> to vector<32x4x128xf32>
    %transpose3A = tpu.transpose %reshape3A, [0, 2, 1] : vector<32x4x128xf32> -> vector<32x128x4xf32>
    %swap3A = arith.constant 0 : index
    %swap3A_24 = arith.constant 0 : index
    %swap3A_25 = arith.constant 0 : index
    %swap3A_26 = vector.load %arg7[%swap3A, %swap3A_24, %swap3A_25] : memref<32x128x4xf32, #tpu.memory_space<vmem>>, vector<32x128x4xf32>
    tpu.vector_store %arg7[%swap3A, %swap3A_24, %swap3A_25], %transpose3A {strides = array<i32>} : memref<32x128x4xf32, #tpu.memory_space<vmem>>, vector<32x128x4xf32>,
    %iota3A_27 = tpu.iota {dimensions = array<i32: 1>} : vector<1x4xi32>
    %iota3A_28 = vector.shape_cast %iota3A_27 : vector<1x4xi32> to vector<4xi32>
    %reshape3A_29 = vector.shape_cast %iota3A_28 : vector<4xi32> to vector<1x4xi32>
    %add3A_30 = vector.broadcast %get3A_10 : vector<32x1xi32> to vector<32x4xi32>
    %add3A_31 = vector.broadcast %reshape3A_29 : vector<1x4xi32> to vector<32x4xi32>
    %add3A_32 = arith.addi %add3A_30, %add3A_31 : vector<32x4xi32>
    %broadcast_in_dim3A_33 = arith.constant 0.000000e+00 : f32
    %broadcast_in_dim3A_34 = vector.broadcast %broadcast_in_dim3A_33 : f32 to vector<32x4xf32>
    %broadcast_in_dim3A_35 = arith.constant 0 : i32
    %broadcast_in_dim3A_36 = vector.broadcast %broadcast_in_dim3A_35 : i32 to vector<32x4xi32>
    %scan3A = arith.constant 0 : i32
    %scan3A_37 = arith.constant 128 : i32
    %scan3A_38 = arith.addi %scan3A, %scan3A_37 : i32
    %scan3A_39 = arith.constant 1 : i32
    %scan3A_40:2 = scf.for %scan3A_57 = %scan3A to %scan3A_38 step %scan3A_39 iter_args(%scan3A_58 = %broadcast_in_dim3A_34, %scan3A_59 = %broadcast_in_dim3A_36) -> (vector<32x4xf32>, vector<32x4xi32>)  : i32 {
      %get3A_60 = arith.constant 0 : index
      %get3A_61 = arith.index_cast %scan3A_57 : i32 to index
      %get3A_62 = arith.constant 0 : index
      %get3A_63 = vector.load %arg7[%get3A_60, %get3A_61, %get3A_62] : memref<32x128x4xf32, #tpu.memory_space<vmem>>, vector<32x1x4xf32>
      %get3A_64 = vector.shape_cast %get3A_63 : vector<32x1x4xf32> to vector<32x4xf32>
      %add3A_65 = arith.addf %scan3A_58, %get3A_64 : vector<32x4xf32>
      %add3A_66 = arith.addf %add3A_65, %get3A_13 : vector<32x4xf32>
      %mul3A_67 = arith.constant 128 : i32
      %mul3A_68 = vector.broadcast %mul3A_67 : i32 to vector<32x4xi32>
      %mul3A_69 = arith.muli %add3A_32, %mul3A_68 : vector<32x4xi32>
      %add3A_70 = vector.broadcast %scan3A_57 : i32 to vector<32x4xi32>
      %add3A_71 = arith.addi %mul3A_69, %add3A_70 : vector<32x4xi32>
      %lt3A_72 = arith.constant 1000000 : i32
      %lt3A_73 = vector.broadcast %lt3A_72 : i32 to vector<32x4xi32>
      %lt3A_74 = arith.cmpi slt, %add3A_71, %lt3A_73 : vector<32x4xi32>
      %lt3A_75 = vector.broadcast %get3A_7 : vector<32x1xf32> to vector<32x4xf32>
      %lt3A_76 = arith.cmpf olt, %add3A_66, %lt3A_75 : vector<32x4xf32>
      %and3A = arith.andi %lt3A_76, %lt3A_74 : vector<32x4xi1>
      %convert_element_type3A = arith.extui %and3A : vector<32x4xi1> to vector<32x4xi32>
      %add3A_77 = arith.addi %scan3A_59, %convert_element_type3A : vector<32x4xi32>
      scf.yield %add3A_65, %add3A_77 : vector<32x4xf32>, vector<32x4xi32>
    }
    %scan3A_41 = arith.constant 128 : i32
    %mul3A_42 = arith.constant 128 : i32
    %mul3A_43 = vector.broadcast %mul3A_42 : i32 to vector<32x1xi32>
    %mul3A_44 = arith.muli %get3A_10, %mul3A_43 : vector<32x1xi32>
    %reduce_sum3A = arith.constant dense<0> : vector<32xi32>
    %reduce_sum3A_45 = vector.multi_reduction <add>, %scan3A_40#1, %reduce_sum3A [1] : vector<32x4xi32> to vector<32xi32>
    %broadcast_in_dim3A_46 = vector.shape_cast %reduce_sum3A_45 : vector<32xi32> to vector<32x1xi32>
    %add3A_47 = arith.addi %mul3A_44, %broadcast_in_dim3A_46 : vector<32x1xi32>
    %jit3A_48 = arith.constant 0 : i32
    %jit3A_49 = arith.constant 999999 : i32
    %max3A = vector.broadcast %jit3A_48 : i32 to vector<32x1xi32>
    %max3A_50 = arith.maxsi %max3A, %add3A_47 : vector<32x1xi32>
    %min3A = vector.broadcast %jit3A_49 : i32 to vector<32x1xi32>
    %min3A_51 = arith.minsi %min3A, %max3A_50 : vector<32x1xi32>
    %broadcast_in_dim3A_52 = arith.constant 0 : i32
    %broadcast_in_dim3A_53 = vector.broadcast %broadcast_in_dim3A_52 : i32 to vector<32x127xi32>
    %concatenate3A = tpu.concatenate %min3A_51, %broadcast_in_dim3A_53 in 1 : vector<32x1xi32>, vector<32x127xi32> -> vector<32x128xi32>
    %swap3A_54 = arith.constant 0 : index
    %swap3A_55 = arith.constant 0 : index
    %swap3A_56 = vector.load %arg6[%swap3A_54, %swap3A_55] : memref<32x128xi32, #tpu.memory_space<vmem>>, vector<32x128xi32>
    tpu.vector_store %arg6[%swap3A_54, %swap3A_55], %concatenate3A {strides = array<i32>} : memref<32x128xi32, #tpu.memory_space<vmem>>, vector<32x128xi32>,
    return
  }
}

module attributes {stable_mosaic.version = 14 : i64} {
  func.func @_p3_kernel(%arg0: i32, %arg1: memref<32x32768xf32, #tpu.memory_space<vmem>>, %arg2: memref<32x128xf32, #tpu.memory_space<vmem>>, %arg3: memref<32x128xf32, #tpu.memory_space<vmem>>, %arg4: memref<32x128xf32, #tpu.memory_space<vmem>>, %arg5: memref<32x128xf32, #tpu.memory_space<vmem>>, %arg6: memref<32x128xi32, #tpu.memory_space<vmem>>, %arg7: memref<32x128x128xf32, #tpu.memory_space<vmem>>, %arg8: memref<32x128xf32, #tpu.memory_space<vmem>>, %arg9: memref<32x128xi32, #tpu.memory_space<vmem>>) attributes {dimension_semantics = [#tpu.dimension_semantics<arbitrary>], iteration_bounds = array<i64: 31>, scalar_prefetch = 0 : i64, scratch_operands = 3 : i64, tpu.core_type = #tpu.core_type<tc>, window_params = [{transform_indices = @transform_0, window_bounds = array<i64: 32, 32768>}, {pipeline_mode = #tpu.pipeline_mode<synchronous>, transform_indices = @transform_1, window_bounds = array<i64: 32, 128>}, {pipeline_mode = #tpu.pipeline_mode<synchronous>, transform_indices = @transform_2, window_bounds = array<i64: 32, 128>}, {pipeline_mode = #tpu.pipeline_mode<synchronous>, transform_indices = @transform_3, window_bounds = array<i64: 32, 128>}, {pipeline_mode = #tpu.pipeline_mode<synchronous>, transform_indices = @transform_4, window_bounds = array<i64: 32, 128>}, {pipeline_mode = #tpu.pipeline_mode<synchronous>, transform_indices = @transform_5, window_bounds = array<i64: 32, 128>}]} {
    %eq3A = arith.constant 0 : i32
    %eq3A_0 = arith.cmpi eq, %arg0, %eq3A : i32
    %convert_element_type3A = arith.extui %eq3A_0 : i1 to i32
    %cond3A = arith.constant 0 : i32
    %cond3A_1 = arith.cmpi ne, %convert_element_type3A, %cond3A : i32
    scf.if %cond3A_1 {
      %broadcast_in_dim3A_857 = arith.constant 0.000000e+00 : f32
      %broadcast_in_dim3A_858 = vector.broadcast %broadcast_in_dim3A_857 : f32 to vector<32x128xf32>
      %swap3A_859 = arith.constant 0 : index
      %swap3A_860 = arith.constant 0 : index
      %swap3A_861 = vector.load %arg8[%swap3A_859, %swap3A_860] : memref<32x128xf32, #tpu.memory_space<vmem>>, vector<32x128xf32>
      tpu.vector_store %arg8[%swap3A_859, %swap3A_860], %broadcast_in_dim3A_858 {strides = array<i32>} : memref<32x128xf32, #tpu.memory_space<vmem>>, vector<32x128xf32>,
      %broadcast_in_dim3A_862 = arith.constant 0 : i32
      %broadcast_in_dim3A_863 = vector.broadcast %broadcast_in_dim3A_862 : i32 to vector<32x128xi32>
      %swap3A_864 = arith.constant 0 : index
      %swap3A_865 = arith.constant 0 : index
      %swap3A_866 = vector.load %arg9[%swap3A_864, %swap3A_865] : memref<32x128xi32, #tpu.memory_space<vmem>>, vector<32x128xi32>
      tpu.vector_store %arg9[%swap3A_864, %swap3A_865], %broadcast_in_dim3A_863 {strides = array<i32>} : memref<32x128xi32, #tpu.memory_space<vmem>>, vector<32x128xi32>,
    } else {
    }
    %get3A = arith.constant 0 : index
    %get3A_2 = arith.constant 0 : index
    %get3A_3 = vector.load %arg2[%get3A, %get3A_2] : memref<32x128xf32, #tpu.memory_space<vmem>>, vector<32x1xf32>
    %get3A_4 = arith.constant 0 : index
    %get3A_5 = arith.constant 0 : index
    %get3A_6 = vector.load %arg3[%get3A_4, %get3A_5] : memref<32x128xf32, #tpu.memory_space<vmem>>, vector<32x1xf32>
    %get3A_7 = arith.constant 0 : index
    %get3A_8 = arith.constant 0 : index
    %get3A_9 = vector.load %arg4[%get3A_7, %get3A_8] : memref<32x128xf32, #tpu.memory_space<vmem>>, vector<32x1xf32>
    %get3A_10 = arith.constant 0 : index
    %get3A_11 = arith.constant 0 : index
    %get3A_12 = vector.load %arg1[%get3A_10, %get3A_11] : memref<32x32768xf32, #tpu.memory_space<vmem>>, vector<32x32768xf32>
    %mul3A = arith.constant 32768 : i32
    %mul3A_13 = arith.muli %arg0, %mul3A : i32
    %iota3A = tpu.iota {dimensions = array<i32: 1>} : vector<32x32768xi32>
    %add3A = vector.broadcast %mul3A_13 : i32 to vector<32x32768xi32>
    %add3A_14 = arith.addi %add3A, %iota3A : vector<32x32768xi32>
    %lt3A = arith.constant 1000000 : i32
    %lt3A_15 = vector.broadcast %lt3A : i32 to vector<32x32768xi32>
    %lt3A_16 = arith.cmpi slt, %add3A_14, %lt3A_15 : vector<32x32768xi32>
    %jit3A = arith.constant -1.000000e+30 : f32
    %broadcast_in_dim3A = vector.broadcast %jit3A : f32 to vector<32x32768xf32>
    %select_n3A = arith.select %lt3A_16, %get3A_12, %broadcast_in_dim3A : vector<32x32768xi1>, vector<32x32768xf32>
    %sub3A = vector.broadcast %get3A_3 : vector<32x1xf32> to vector<32x32768xf32>
    %sub3A_17 = arith.subf %select_n3A, %sub3A : vector<32x32768xf32>
    %exp3A = math.exp %sub3A_17 : vector<32x32768xf32>
    %div3A = vector.broadcast %get3A_6 : vector<32x1xf32> to vector<32x32768xf32>
    %div3A_18 = arith.divf %exp3A, %div3A : vector<32x32768xf32>
    %slice3A = vector.extract_strided_slice %div3A_18 {offsets = [0, 0], sizes = [32, 16384], strides = [1, 1]} : vector<32x32768xf32> to vector<32x16384xf32>
    %reshape3A = vector.shape_cast %slice3A : vector<32x16384xf32> to vector<32x128x128xf32>
    %transpose3A = tpu.transpose %reshape3A, [0, 2, 1] : vector<32x128x128xf32> -> vector<32x128x128xf32>
    %swap3A = arith.constant 0 : index
    %swap3A_19 = arith.constant 0 : index
    %swap3A_20 = arith.constant 0 : index
    %swap3A_21 = vector.load %arg7[%swap3A, %swap3A_19, %swap3A_20] : memref<32x128x128xf32, #tpu.memory_space<vmem>>, vector<32x128x128xf32>
    tpu.vector_store %arg7[%swap3A, %swap3A_19, %swap3A_20], %transpose3A {strides = array<i32>} : memref<32x128x128xf32, #tpu.memory_space<vmem>>, vector<32x128x128xf32>,
    %broadcast_in_dim3A_22 = arith.constant 0.000000e+00 : f32
    %broadcast_in_dim3A_23 = vector.broadcast %broadcast_in_dim3A_22 : f32 to vector<32x128xf32>
    %scan3A = arith.constant 0 : i32
    %scan3A_24 = arith.constant 128 : i32
    %scan3A_25 = arith.addi %scan3A, %scan3A_24 : i32
    %scan3A_26 = arith.constant 1 : i32
    %scan3A_27 = scf.for %scan3A_857 = %scan3A to %scan3A_25 step %scan3A_26 iter_args(%scan3A_858 = %broadcast_in_dim3A_23) -> (vector<32x128xf32>)  : i32 {
      %get3A_859 = arith.constant 0 : index
      %get3A_860 = arith.index_cast %scan3A_857 : i32 to index
      %get3A_861 = arith.constant 0 : index
      %get3A_862 = vector.load %arg7[%get3A_859, %get3A_860, %get3A_861] : memref<32x128x128xf32, #tpu.memory_space<vmem>>, vector<32x1x128xf32>
      %get3A_863 = vector.shape_cast %get3A_862 : vector<32x1x128xf32> to vector<32x128xf32>
      %add3A_864 = arith.addf %scan3A_858, %get3A_863 : vector<32x128xf32>
      scf.yield %add3A_864 : vector<32x128xf32>
    }
    %scan3A_28 = arith.constant 128 : i32
    %transpose3A_29 = tpu.transpose %scan3A_27, [1, 0] : vector<32x128xf32> -> vector<128x32xf32>
    %slice3A_30 = vector.extract_strided_slice %transpose3A_29 {offsets = [0, 0], sizes = [1, 32], strides = [1, 1]} : vector<128x32xf32> to vector<1x32xf32>
    %slice3A_31 = vector.extract_strided_slice %transpose3A_29 {offsets = [1, 0], sizes = [1, 32], strides = [1, 1]} : vector<128x32xf32> to vector<1x32xf32>
    %add3A_32 = arith.addf %slice3A_30, %slice3A_31 : vector<1x32xf32>
    %slice3A_33 = vector.extract_strided_slice %transpose3A_29 {offsets = [2, 0], sizes = [1, 32], strides = [1, 1]} : vector<128x32xf32> to vector<1x32xf32>
    %add3A_34 = arith.addf %add3A_32, %slice3A_33 : vector<1x32xf32>
    %slice3A_35 = vector.extract_strided_slice %transpose3A_29 {offsets = [3, 0], sizes = [1, 32], strides = [1, 1]} : vector<128x32xf32> to vector<1x32xf32>
    %add3A_36 = arith.addf %add3A_34, %slice3A_35 : vector<1x32xf32>
    %slice3A_37 = vector.extract_strided_slice %transpose3A_29 {offsets = [4, 0], sizes = [1, 32], strides = [1, 1]} : vector<128x32xf32> to vector<1x32xf32>
    %add3A_38 = arith.addf %add3A_36, %slice3A_37 : vector<1x32xf32>
    %slice3A_39 = vector.extract_strided_slice %transpose3A_29 {offsets = [5, 0], sizes = [1, 32], strides = [1, 1]} : vector<128x32xf32> to vector<1x32xf32>
    %add3A_40 = arith.addf %add3A_38, %slice3A_39 : vector<1x32xf32>
    %slice3A_41 = vector.extract_strided_slice %transpose3A_29 {offsets = [6, 0], sizes = [1, 32], strides = [1, 1]} : vector<128x32xf32> to vector<1x32xf32>
    %add3A_42 = arith.addf %add3A_40, %slice3A_41 : vector<1x32xf32>
    %slice3A_43 = vector.extract_strided_slice %transpose3A_29 {offsets = [7, 0], sizes = [1, 32], strides = [1, 1]} : vector<128x32xf32> to vector<1x32xf32>
    %add3A_44 = arith.addf %add3A_42, %slice3A_43 : vector<1x32xf32>
    %slice3A_45 = vector.extract_strided_slice %transpose3A_29 {offsets = [8, 0], sizes = [1, 32], strides = [1, 1]} : vector<128x32xf32> to vector<1x32xf32>
    %add3A_46 = arith.addf %add3A_44, %slice3A_45 : vector<1x32xf32>
    %slice3A_47 = vector.extract_strided_slice %transpose3A_29 {offsets = [9, 0], sizes = [1, 32], strides = [1, 1]} : vector<128x32xf32> to vector<1x32xf32>
    %add3A_48 = arith.addf %add3A_46, %slice3A_47 : vector<1x32xf32>
    %slice3A_49 = vector.extract_strided_slice %transpose3A_29 {offsets = [10, 0], sizes = [1, 32], strides = [1, 1]} : vector<128x32xf32> to vector<1x32xf32>
    %add3A_50 = arith.addf %add3A_48, %slice3A_49 : vector<1x32xf32>
    %slice3A_51 = vector.extract_strided_slice %transpose3A_29 {offsets = [11, 0], sizes = [1, 32], strides = [1, 1]} : vector<128x32xf32> to vector<1x32xf32>
    %add3A_52 = arith.addf %add3A_50, %slice3A_51 : vector<1x32xf32>
    %slice3A_53 = vector.extract_strided_slice %transpose3A_29 {offsets = [12, 0], sizes = [1, 32], strides = [1, 1]} : vector<128x32xf32> to vector<1x32xf32>
    %add3A_54 = arith.addf %add3A_52, %slice3A_53 : vector<1x32xf32>
    %slice3A_55 = vector.extract_strided_slice %transpose3A_29 {offsets = [13, 0], sizes = [1, 32], strides = [1, 1]} : vector<128x32xf32> to vector<1x32xf32>
    %add3A_56 = arith.addf %add3A_54, %slice3A_55 : vector<1x32xf32>
    %slice3A_57 = vector.extract_strided_slice %transpose3A_29 {offsets = [14, 0], sizes = [1, 32], strides = [1, 1]} : vector<128x32xf32> to vector<1x32xf32>
    %add3A_58 = arith.addf %add3A_56, %slice3A_57 : vector<1x32xf32>
    %slice3A_59 = vector.extract_strided_slice %transpose3A_29 {offsets = [15, 0], sizes = [1, 32], strides = [1, 1]} : vector<128x32xf32> to vector<1x32xf32>
    %add3A_60 = arith.addf %add3A_58, %slice3A_59 : vector<1x32xf32>
    %slice3A_61 = vector.extract_strided_slice %transpose3A_29 {offsets = [16, 0], sizes = [1, 32], strides = [1, 1]} : vector<128x32xf32> to vector<1x32xf32>
    %add3A_62 = arith.addf %add3A_60, %slice3A_61 : vector<1x32xf32>
    %slice3A_63 = vector.extract_strided_slice %transpose3A_29 {offsets = [17, 0], sizes = [1, 32], strides = [1, 1]} : vector<128x32xf32> to vector<1x32xf32>
    %add3A_64 = arith.addf %add3A_62, %slice3A_63 : vector<1x32xf32>
    %slice3A_65 = vector.extract_strided_slice %transpose3A_29 {offsets = [18, 0], sizes = [1, 32], strides = [1, 1]} : vector<128x32xf32> to vector<1x32xf32>
    %add3A_66 = arith.addf %add3A_64, %slice3A_65 : vector<1x32xf32>
    %slice3A_67 = vector.extract_strided_slice %transpose3A_29 {offsets = [19, 0], sizes = [1, 32], strides = [1, 1]} : vector<128x32xf32> to vector<1x32xf32>
    %add3A_68 = arith.addf %add3A_66, %slice3A_67 : vector<1x32xf32>
    %slice3A_69 = vector.extract_strided_slice %transpose3A_29 {offsets = [20, 0], sizes = [1, 32], strides = [1, 1]} : vector<128x32xf32> to vector<1x32xf32>
    %add3A_70 = arith.addf %add3A_68, %slice3A_69 : vector<1x32xf32>
    %slice3A_71 = vector.extract_strided_slice %transpose3A_29 {offsets = [21, 0], sizes = [1, 32], strides = [1, 1]} : vector<128x32xf32> to vector<1x32xf32>
    %add3A_72 = arith.addf %add3A_70, %slice3A_71 : vector<1x32xf32>
    %slice3A_73 = vector.extract_strided_slice %transpose3A_29 {offsets = [22, 0], sizes = [1, 32], strides = [1, 1]} : vector<128x32xf32> to vector<1x32xf32>
    %add3A_74 = arith.addf %add3A_72, %slice3A_73 : vector<1x32xf32>
    %slice3A_75 = vector.extract_strided_slice %transpose3A_29 {offsets = [23, 0], sizes = [1, 32], strides = [1, 1]} : vector<128x32xf32> to vector<1x32xf32>
    %add3A_76 = arith.addf %add3A_74, %slice3A_75 : vector<1x32xf32>
    %slice3A_77 = vector.extract_strided_slice %transpose3A_29 {offsets = [24, 0], sizes = [1, 32], strides = [1, 1]} : vector<128x32xf32> to vector<1x32xf32>
    %add3A_78 = arith.addf %add3A_76, %slice3A_77 : vector<1x32xf32>
    %slice3A_79 = vector.extract_strided_slice %transpose3A_29 {offsets = [25, 0], sizes = [1, 32], strides = [1, 1]} : vector<128x32xf32> to vector<1x32xf32>
    %add3A_80 = arith.addf %add3A_78, %slice3A_79 : vector<1x32xf32>
    %slice3A_81 = vector.extract_strided_slice %transpose3A_29 {offsets = [26, 0], sizes = [1, 32], strides = [1, 1]} : vector<128x32xf32> to vector<1x32xf32>
    %add3A_82 = arith.addf %add3A_80, %slice3A_81 : vector<1x32xf32>
    %slice3A_83 = vector.extract_strided_slice %transpose3A_29 {offsets = [27, 0], sizes = [1, 32], strides = [1, 1]} : vector<128x32xf32> to vector<1x32xf32>
    %add3A_84 = arith.addf %add3A_82, %slice3A_83 : vector<1x32xf32>
    %slice3A_85 = vector.extract_strided_slice %transpose3A_29 {offsets = [28, 0], sizes = [1, 32], strides = [1, 1]} : vector<128x32xf32> to vector<1x32xf32>
    %add3A_86 = arith.addf %add3A_84, %slice3A_85 : vector<1x32xf32>
    %slice3A_87 = vector.extract_strided_slice %transpose3A_29 {offsets = [29, 0], sizes = [1, 32], strides = [1, 1]} : vector<128x32xf32> to vector<1x32xf32>
    %add3A_88 = arith.addf %add3A_86, %slice3A_87 : vector<1x32xf32>
    %slice3A_89 = vector.extract_strided_slice %transpose3A_29 {offsets = [30, 0], sizes = [1, 32], strides = [1, 1]} : vector<128x32xf32> to vector<1x32xf32>
    %add3A_90 = arith.addf %add3A_88, %slice3A_89 : vector<1x32xf32>
    %slice3A_91 = vector.extract_strided_slice %transpose3A_29 {offsets = [31, 0], sizes = [1, 32], strides = [1, 1]} : vector<128x32xf32> to vector<1x32xf32>
    %add3A_92 = arith.addf %add3A_90, %slice3A_91 : vector<1x32xf32>
    %slice3A_93 = vector.extract_strided_slice %transpose3A_29 {offsets = [32, 0], sizes = [1, 32], strides = [1, 1]} : vector<128x32xf32> to vector<1x32xf32>
    %add3A_94 = arith.addf %add3A_92, %slice3A_93 : vector<1x32xf32>
    %slice3A_95 = vector.extract_strided_slice %transpose3A_29 {offsets = [33, 0], sizes = [1, 32], strides = [1, 1]} : vector<128x32xf32> to vector<1x32xf32>
    %add3A_96 = arith.addf %add3A_94, %slice3A_95 : vector<1x32xf32>
    %slice3A_97 = vector.extract_strided_slice %transpose3A_29 {offsets = [34, 0], sizes = [1, 32], strides = [1, 1]} : vector<128x32xf32> to vector<1x32xf32>
    %add3A_98 = arith.addf %add3A_96, %slice3A_97 : vector<1x32xf32>
    %slice3A_99 = vector.extract_strided_slice %transpose3A_29 {offsets = [35, 0], sizes = [1, 32], strides = [1, 1]} : vector<128x32xf32> to vector<1x32xf32>
    %add3A_100 = arith.addf %add3A_98, %slice3A_99 : vector<1x32xf32>
    %slice3A_101 = vector.extract_strided_slice %transpose3A_29 {offsets = [36, 0], sizes = [1, 32], strides = [1, 1]} : vector<128x32xf32> to vector<1x32xf32>
    %add3A_102 = arith.addf %add3A_100, %slice3A_101 : vector<1x32xf32>
    %slice3A_103 = vector.extract_strided_slice %transpose3A_29 {offsets = [37, 0], sizes = [1, 32], strides = [1, 1]} : vector<128x32xf32> to vector<1x32xf32>
    %add3A_104 = arith.addf %add3A_102, %slice3A_103 : vector<1x32xf32>
    %slice3A_105 = vector.extract_strided_slice %transpose3A_29 {offsets = [38, 0], sizes = [1, 32], strides = [1, 1]} : vector<128x32xf32> to vector<1x32xf32>
    %add3A_106 = arith.addf %add3A_104, %slice3A_105 : vector<1x32xf32>
    %slice3A_107 = vector.extract_strided_slice %transpose3A_29 {offsets = [39, 0], sizes = [1, 32], strides = [1, 1]} : vector<128x32xf32> to vector<1x32xf32>
    %add3A_108 = arith.addf %add3A_106, %slice3A_107 : vector<1x32xf32>
    %slice3A_109 = vector.extract_strided_slice %transpose3A_29 {offsets = [40, 0], sizes = [1, 32], strides = [1, 1]} : vector<128x32xf32> to vector<1x32xf32>
    %add3A_110 = arith.addf %add3A_108, %slice3A_109 : vector<1x32xf32>
    %slice3A_111 = vector.extract_strided_slice %transpose3A_29 {offsets = [41, 0], sizes = [1, 32], strides = [1, 1]} : vector<128x32xf32> to vector<1x32xf32>
    %add3A_112 = arith.addf %add3A_110, %slice3A_111 : vector<1x32xf32>
    %slice3A_113 = vector.extract_strided_slice %transpose3A_29 {offsets = [42, 0], sizes = [1, 32], strides = [1, 1]} : vector<128x32xf32> to vector<1x32xf32>
    %add3A_114 = arith.addf %add3A_112, %slice3A_113 : vector<1x32xf32>
    %slice3A_115 = vector.extract_strided_slice %transpose3A_29 {offsets = [43, 0], sizes = [1, 32], strides = [1, 1]} : vector<128x32xf32> to vector<1x32xf32>
    %add3A_116 = arith.addf %add3A_114, %slice3A_115 : vector<1x32xf32>
    %slice3A_117 = vector.extract_strided_slice %transpose3A_29 {offsets = [44, 0], sizes = [1, 32], strides = [1, 1]} : vector<128x32xf32> to vector<1x32xf32>
    %add3A_118 = arith.addf %add3A_116, %slice3A_117 : vector<1x32xf32>
    %slice3A_119 = vector.extract_strided_slice %transpose3A_29 {offsets = [45, 0], sizes = [1, 32], strides = [1, 1]} : vector<128x32xf32> to vector<1x32xf32>
    %add3A_120 = arith.addf %add3A_118, %slice3A_119 : vector<1x32xf32>
    %slice3A_121 = vector.extract_strided_slice %transpose3A_29 {offsets = [46, 0], sizes = [1, 32], strides = [1, 1]} : vector<128x32xf32> to vector<1x32xf32>
    %add3A_122 = arith.addf %add3A_120, %slice3A_121 : vector<1x32xf32>
    %slice3A_123 = vector.extract_strided_slice %transpose3A_29 {offsets = [47, 0], sizes = [1, 32], strides = [1, 1]} : vector<128x32xf32> to vector<1x32xf32>
    %add3A_124 = arith.addf %add3A_122, %slice3A_123 : vector<1x32xf32>
    %slice3A_125 = vector.extract_strided_slice %transpose3A_29 {offsets = [48, 0], sizes = [1, 32], strides = [1, 1]} : vector<128x32xf32> to vector<1x32xf32>
    %add3A_126 = arith.addf %add3A_124, %slice3A_125 : vector<1x32xf32>
    %slice3A_127 = vector.extract_strided_slice %transpose3A_29 {offsets = [49, 0], sizes = [1, 32], strides = [1, 1]} : vector<128x32xf32> to vector<1x32xf32>
    %add3A_128 = arith.addf %add3A_126, %slice3A_127 : vector<1x32xf32>
    %slice3A_129 = vector.extract_strided_slice %transpose3A_29 {offsets = [50, 0], sizes = [1, 32], strides = [1, 1]} : vector<128x32xf32> to vector<1x32xf32>
    %add3A_130 = arith.addf %add3A_128, %slice3A_129 : vector<1x32xf32>
    %slice3A_131 = vector.extract_strided_slice %transpose3A_29 {offsets = [51, 0], sizes = [1, 32], strides = [1, 1]} : vector<128x32xf32> to vector<1x32xf32>
    %add3A_132 = arith.addf %add3A_130, %slice3A_131 : vector<1x32xf32>
    %slice3A_133 = vector.extract_strided_slice %transpose3A_29 {offsets = [52, 0], sizes = [1, 32], strides = [1, 1]} : vector<128x32xf32> to vector<1x32xf32>
    %add3A_134 = arith.addf %add3A_132, %slice3A_133 : vector<1x32xf32>
    %slice3A_135 = vector.extract_strided_slice %transpose3A_29 {offsets = [53, 0], sizes = [1, 32], strides = [1, 1]} : vector<128x32xf32> to vector<1x32xf32>
    %add3A_136 = arith.addf %add3A_134, %slice3A_135 : vector<1x32xf32>
    %slice3A_137 = vector.extract_strided_slice %transpose3A_29 {offsets = [54, 0], sizes = [1, 32], strides = [1, 1]} : vector<128x32xf32> to vector<1x32xf32>
    %add3A_138 = arith.addf %add3A_136, %slice3A_137 : vector<1x32xf32>
    %slice3A_139 = vector.extract_strided_slice %transpose3A_29 {offsets = [55, 0], sizes = [1, 32], strides = [1, 1]} : vector<128x32xf32> to vector<1x32xf32>
    %add3A_140 = arith.addf %add3A_138, %slice3A_139 : vector<1x32xf32>
    %slice3A_141 = vector.extract_strided_slice %transpose3A_29 {offsets = [56, 0], sizes = [1, 32], strides = [1, 1]} : vector<128x32xf32> to vector<1x32xf32>
    %add3A_142 = arith.addf %add3A_140, %slice3A_141 : vector<1x32xf32>
    %slice3A_143 = vector.extract_strided_slice %transpose3A_29 {offsets = [57, 0], sizes = [1, 32], strides = [1, 1]} : vector<128x32xf32> to vector<1x32xf32>
    %add3A_144 = arith.addf %add3A_142, %slice3A_143 : vector<1x32xf32>
    %slice3A_145 = vector.extract_strided_slice %transpose3A_29 {offsets = [58, 0], sizes = [1, 32], strides = [1, 1]} : vector<128x32xf32> to vector<1x32xf32>
    %add3A_146 = arith.addf %add3A_144, %slice3A_145 : vector<1x32xf32>
    %slice3A_147 = vector.extract_strided_slice %transpose3A_29 {offsets = [59, 0], sizes = [1, 32], strides = [1, 1]} : vector<128x32xf32> to vector<1x32xf32>
    %add3A_148 = arith.addf %add3A_146, %slice3A_147 : vector<1x32xf32>
    %slice3A_149 = vector.extract_strided_slice %transpose3A_29 {offsets = [60, 0], sizes = [1, 32], strides = [1, 1]} : vector<128x32xf32> to vector<1x32xf32>
    %add3A_150 = arith.addf %add3A_148, %slice3A_149 : vector<1x32xf32>
    %slice3A_151 = vector.extract_strided_slice %transpose3A_29 {offsets = [61, 0], sizes = [1, 32], strides = [1, 1]} : vector<128x32xf32> to vector<1x32xf32>
    %add3A_152 = arith.addf %add3A_150, %slice3A_151 : vector<1x32xf32>
    %slice3A_153 = vector.extract_strided_slice %transpose3A_29 {offsets = [62, 0], sizes = [1, 32], strides = [1, 1]} : vector<128x32xf32> to vector<1x32xf32>
    %add3A_154 = arith.addf %add3A_152, %slice3A_153 : vector<1x32xf32>
    %slice3A_155 = vector.extract_strided_slice %transpose3A_29 {offsets = [63, 0], sizes = [1, 32], strides = [1, 1]} : vector<128x32xf32> to vector<1x32xf32>
    %add3A_156 = arith.addf %add3A_154, %slice3A_155 : vector<1x32xf32>
    %slice3A_157 = vector.extract_strided_slice %transpose3A_29 {offsets = [64, 0], sizes = [1, 32], strides = [1, 1]} : vector<128x32xf32> to vector<1x32xf32>
    %add3A_158 = arith.addf %add3A_156, %slice3A_157 : vector<1x32xf32>
    %slice3A_159 = vector.extract_strided_slice %transpose3A_29 {offsets = [65, 0], sizes = [1, 32], strides = [1, 1]} : vector<128x32xf32> to vector<1x32xf32>
    %add3A_160 = arith.addf %add3A_158, %slice3A_159 : vector<1x32xf32>
    %slice3A_161 = vector.extract_strided_slice %transpose3A_29 {offsets = [66, 0], sizes = [1, 32], strides = [1, 1]} : vector<128x32xf32> to vector<1x32xf32>
    %add3A_162 = arith.addf %add3A_160, %slice3A_161 : vector<1x32xf32>
    %slice3A_163 = vector.extract_strided_slice %transpose3A_29 {offsets = [67, 0], sizes = [1, 32], strides = [1, 1]} : vector<128x32xf32> to vector<1x32xf32>
    %add3A_164 = arith.addf %add3A_162, %slice3A_163 : vector<1x32xf32>
    %slice3A_165 = vector.extract_strided_slice %transpose3A_29 {offsets = [68, 0], sizes = [1, 32], strides = [1, 1]} : vector<128x32xf32> to vector<1x32xf32>
    %add3A_166 = arith.addf %add3A_164, %slice3A_165 : vector<1x32xf32>
    %slice3A_167 = vector.extract_strided_slice %transpose3A_29 {offsets = [69, 0], sizes = [1, 32], strides = [1, 1]} : vector<128x32xf32> to vector<1x32xf32>
    %add3A_168 = arith.addf %add3A_166, %slice3A_167 : vector<1x32xf32>
    %slice3A_169 = vector.extract_strided_slice %transpose3A_29 {offsets = [70, 0], sizes = [1, 32], strides = [1, 1]} : vector<128x32xf32> to vector<1x32xf32>
    %add3A_170 = arith.addf %add3A_168, %slice3A_169 : vector<1x32xf32>
    %slice3A_171 = vector.extract_strided_slice %transpose3A_29 {offsets = [71, 0], sizes = [1, 32], strides = [1, 1]} : vector<128x32xf32> to vector<1x32xf32>
    %add3A_172 = arith.addf %add3A_170, %slice3A_171 : vector<1x32xf32>
    %slice3A_173 = vector.extract_strided_slice %transpose3A_29 {offsets = [72, 0], sizes = [1, 32], strides = [1, 1]} : vector<128x32xf32> to vector<1x32xf32>
    %add3A_174 = arith.addf %add3A_172, %slice3A_173 : vector<1x32xf32>
    %slice3A_175 = vector.extract_strided_slice %transpose3A_29 {offsets = [73, 0], sizes = [1, 32], strides = [1, 1]} : vector<128x32xf32> to vector<1x32xf32>
    %add3A_176 = arith.addf %add3A_174, %slice3A_175 : vector<1x32xf32>
    %slice3A_177 = vector.extract_strided_slice %transpose3A_29 {offsets = [74, 0], sizes = [1, 32], strides = [1, 1]} : vector<128x32xf32> to vector<1x32xf32>
    %add3A_178 = arith.addf %add3A_176, %slice3A_177 : vector<1x32xf32>
    %slice3A_179 = vector.extract_strided_slice %transpose3A_29 {offsets = [75, 0], sizes = [1, 32], strides = [1, 1]} : vector<128x32xf32> to vector<1x32xf32>
    %add3A_180 = arith.addf %add3A_178, %slice3A_179 : vector<1x32xf32>
    %slice3A_181 = vector.extract_strided_slice %transpose3A_29 {offsets = [76, 0], sizes = [1, 32], strides = [1, 1]} : vector<128x32xf32> to vector<1x32xf32>
    %add3A_182 = arith.addf %add3A_180, %slice3A_181 : vector<1x32xf32>
    %slice3A_183 = vector.extract_strided_slice %transpose3A_29 {offsets = [77, 0], sizes = [1, 32], strides = [1, 1]} : vector<128x32xf32> to vector<1x32xf32>
    %add3A_184 = arith.addf %add3A_182, %slice3A_183 : vector<1x32xf32>
    %slice3A_185 = vector.extract_strided_slice %transpose3A_29 {offsets = [78, 0], sizes = [1, 32], strides = [1, 1]} : vector<128x32xf32> to vector<1x32xf32>
    %add3A_186 = arith.addf %add3A_184, %slice3A_185 : vector<1x32xf32>
    %slice3A_187 = vector.extract_strided_slice %transpose3A_29 {offsets = [79, 0], sizes = [1, 32], strides = [1, 1]} : vector<128x32xf32> to vector<1x32xf32>
    %add3A_188 = arith.addf %add3A_186, %slice3A_187 : vector<1x32xf32>
    %slice3A_189 = vector.extract_strided_slice %transpose3A_29 {offsets = [80, 0], sizes = [1, 32], strides = [1, 1]} : vector<128x32xf32> to vector<1x32xf32>
    %add3A_190 = arith.addf %add3A_188, %slice3A_189 : vector<1x32xf32>
    %slice3A_191 = vector.extract_strided_slice %transpose3A_29 {offsets = [81, 0], sizes = [1, 32], strides = [1, 1]} : vector<128x32xf32> to vector<1x32xf32>
    %add3A_192 = arith.addf %add3A_190, %slice3A_191 : vector<1x32xf32>
    %slice3A_193 = vector.extract_strided_slice %transpose3A_29 {offsets = [82, 0], sizes = [1, 32], strides = [1, 1]} : vector<128x32xf32> to vector<1x32xf32>
    %add3A_194 = arith.addf %add3A_192, %slice3A_193 : vector<1x32xf32>
    %slice3A_195 = vector.extract_strided_slice %transpose3A_29 {offsets = [83, 0], sizes = [1, 32], strides = [1, 1]} : vector<128x32xf32> to vector<1x32xf32>
    %add3A_196 = arith.addf %add3A_194, %slice3A_195 : vector<1x32xf32>
    %slice3A_197 = vector.extract_strided_slice %transpose3A_29 {offsets = [84, 0], sizes = [1, 32], strides = [1, 1]} : vector<128x32xf32> to vector<1x32xf32>
    %add3A_198 = arith.addf %add3A_196, %slice3A_197 : vector<1x32xf32>
    %slice3A_199 = vector.extract_strided_slice %transpose3A_29 {offsets = [85, 0], sizes = [1, 32], strides = [1, 1]} : vector<128x32xf32> to vector<1x32xf32>
    %add3A_200 = arith.addf %add3A_198, %slice3A_199 : vector<1x32xf32>
    %slice3A_201 = vector.extract_strided_slice %transpose3A_29 {offsets = [86, 0], sizes = [1, 32], strides = [1, 1]} : vector<128x32xf32> to vector<1x32xf32>
    %add3A_202 = arith.addf %add3A_200, %slice3A_201 : vector<1x32xf32>
    %slice3A_203 = vector.extract_strided_slice %transpose3A_29 {offsets = [87, 0], sizes = [1, 32], strides = [1, 1]} : vector<128x32xf32> to vector<1x32xf32>
    %add3A_204 = arith.addf %add3A_202, %slice3A_203 : vector<1x32xf32>
    %slice3A_205 = vector.extract_strided_slice %transpose3A_29 {offsets = [88, 0], sizes = [1, 32], strides = [1, 1]} : vector<128x32xf32> to vector<1x32xf32>
    %add3A_206 = arith.addf %add3A_204, %slice3A_205 : vector<1x32xf32>
    %slice3A_207 = vector.extract_strided_slice %transpose3A_29 {offsets = [89, 0], sizes = [1, 32], strides = [1, 1]} : vector<128x32xf32> to vector<1x32xf32>
    %add3A_208 = arith.addf %add3A_206, %slice3A_207 : vector<1x32xf32>
    %slice3A_209 = vector.extract_strided_slice %transpose3A_29 {offsets = [90, 0], sizes = [1, 32], strides = [1, 1]} : vector<128x32xf32> to vector<1x32xf32>
    %add3A_210 = arith.addf %add3A_208, %slice3A_209 : vector<1x32xf32>
    %slice3A_211 = vector.extract_strided_slice %transpose3A_29 {offsets = [91, 0], sizes = [1, 32], strides = [1, 1]} : vector<128x32xf32> to vector<1x32xf32>
    %add3A_212 = arith.addf %add3A_210, %slice3A_211 : vector<1x32xf32>
    %slice3A_213 = vector.extract_strided_slice %transpose3A_29 {offsets = [92, 0], sizes = [1, 32], strides = [1, 1]} : vector<128x32xf32> to vector<1x32xf32>
    %add3A_214 = arith.addf %add3A_212, %slice3A_213 : vector<1x32xf32>
    %slice3A_215 = vector.extract_strided_slice %transpose3A_29 {offsets = [93, 0], sizes = [1, 32], strides = [1, 1]} : vector<128x32xf32> to vector<1x32xf32>
    %add3A_216 = arith.addf %add3A_214, %slice3A_215 : vector<1x32xf32>
    %slice3A_217 = vector.extract_strided_slice %transpose3A_29 {offsets = [94, 0], sizes = [1, 32], strides = [1, 1]} : vector<128x32xf32> to vector<1x32xf32>
    %add3A_218 = arith.addf %add3A_216, %slice3A_217 : vector<1x32xf32>
    %slice3A_219 = vector.extract_strided_slice %transpose3A_29 {offsets = [95, 0], sizes = [1, 32], strides = [1, 1]} : vector<128x32xf32> to vector<1x32xf32>
    %add3A_220 = arith.addf %add3A_218, %slice3A_219 : vector<1x32xf32>
    %slice3A_221 = vector.extract_strided_slice %transpose3A_29 {offsets = [96, 0], sizes = [1, 32], strides = [1, 1]} : vector<128x32xf32> to vector<1x32xf32>
    %add3A_222 = arith.addf %add3A_220, %slice3A_221 : vector<1x32xf32>
    %slice3A_223 = vector.extract_strided_slice %transpose3A_29 {offsets = [97, 0], sizes = [1, 32], strides = [1, 1]} : vector<128x32xf32> to vector<1x32xf32>
    %add3A_224 = arith.addf %add3A_222, %slice3A_223 : vector<1x32xf32>
    %slice3A_225 = vector.extract_strided_slice %transpose3A_29 {offsets = [98, 0], sizes = [1, 32], strides = [1, 1]} : vector<128x32xf32> to vector<1x32xf32>
    %add3A_226 = arith.addf %add3A_224, %slice3A_225 : vector<1x32xf32>
    %slice3A_227 = vector.extract_strided_slice %transpose3A_29 {offsets = [99, 0], sizes = [1, 32], strides = [1, 1]} : vector<128x32xf32> to vector<1x32xf32>
    %add3A_228 = arith.addf %add3A_226, %slice3A_227 : vector<1x32xf32>
    %slice3A_229 = vector.extract_strided_slice %transpose3A_29 {offsets = [100, 0], sizes = [1, 32], strides = [1, 1]} : vector<128x32xf32> to vector<1x32xf32>
    %add3A_230 = arith.addf %add3A_228, %slice3A_229 : vector<1x32xf32>
    %slice3A_231 = vector.extract_strided_slice %transpose3A_29 {offsets = [101, 0], sizes = [1, 32], strides = [1, 1]} : vector<128x32xf32> to vector<1x32xf32>
    %add3A_232 = arith.addf %add3A_230, %slice3A_231 : vector<1x32xf32>
    %slice3A_233 = vector.extract_strided_slice %transpose3A_29 {offsets = [102, 0], sizes = [1, 32], strides = [1, 1]} : vector<128x32xf32> to vector<1x32xf32>
    %add3A_234 = arith.addf %add3A_232, %slice3A_233 : vector<1x32xf32>
    %slice3A_235 = vector.extract_strided_slice %transpose3A_29 {offsets = [103, 0], sizes = [1, 32], strides = [1, 1]} : vector<128x32xf32> to vector<1x32xf32>
    %add3A_236 = arith.addf %add3A_234, %slice3A_235 : vector<1x32xf32>
    %slice3A_237 = vector.extract_strided_slice %transpose3A_29 {offsets = [104, 0], sizes = [1, 32], strides = [1, 1]} : vector<128x32xf32> to vector<1x32xf32>
    %add3A_238 = arith.addf %add3A_236, %slice3A_237 : vector<1x32xf32>
    %slice3A_239 = vector.extract_strided_slice %transpose3A_29 {offsets = [105, 0], sizes = [1, 32], strides = [1, 1]} : vector<128x32xf32> to vector<1x32xf32>
    %add3A_240 = arith.addf %add3A_238, %slice3A_239 : vector<1x32xf32>
    %slice3A_241 = vector.extract_strided_slice %transpose3A_29 {offsets = [106, 0], sizes = [1, 32], strides = [1, 1]} : vector<128x32xf32> to vector<1x32xf32>
    %add3A_242 = arith.addf %add3A_240, %slice3A_241 : vector<1x32xf32>
    %slice3A_243 = vector.extract_strided_slice %transpose3A_29 {offsets = [107, 0], sizes = [1, 32], strides = [1, 1]} : vector<128x32xf32> to vector<1x32xf32>
    %add3A_244 = arith.addf %add3A_242, %slice3A_243 : vector<1x32xf32>
    %slice3A_245 = vector.extract_strided_slice %transpose3A_29 {offsets = [108, 0], sizes = [1, 32], strides = [1, 1]} : vector<128x32xf32> to vector<1x32xf32>
    %add3A_246 = arith.addf %add3A_244, %slice3A_245 : vector<1x32xf32>
    %slice3A_247 = vector.extract_strided_slice %transpose3A_29 {offsets = [109, 0], sizes = [1, 32], strides = [1, 1]} : vector<128x32xf32> to vector<1x32xf32>
    %add3A_248 = arith.addf %add3A_246, %slice3A_247 : vector<1x32xf32>
    %slice3A_249 = vector.extract_strided_slice %transpose3A_29 {offsets = [110, 0], sizes = [1, 32], strides = [1, 1]} : vector<128x32xf32> to vector<1x32xf32>
    %add3A_250 = arith.addf %add3A_248, %slice3A_249 : vector<1x32xf32>
    %slice3A_251 = vector.extract_strided_slice %transpose3A_29 {offsets = [111, 0], sizes = [1, 32], strides = [1, 1]} : vector<128x32xf32> to vector<1x32xf32>
    %add3A_252 = arith.addf %add3A_250, %slice3A_251 : vector<1x32xf32>
    %slice3A_253 = vector.extract_strided_slice %transpose3A_29 {offsets = [112, 0], sizes = [1, 32], strides = [1, 1]} : vector<128x32xf32> to vector<1x32xf32>
    %add3A_254 = arith.addf %add3A_252, %slice3A_253 : vector<1x32xf32>
    %slice3A_255 = vector.extract_strided_slice %transpose3A_29 {offsets = [113, 0], sizes = [1, 32], strides = [1, 1]} : vector<128x32xf32> to vector<1x32xf32>
    %add3A_256 = arith.addf %add3A_254, %slice3A_255 : vector<1x32xf32>
    %slice3A_257 = vector.extract_strided_slice %transpose3A_29 {offsets = [114, 0], sizes = [1, 32], strides = [1, 1]} : vector<128x32xf32> to vector<1x32xf32>
    %add3A_258 = arith.addf %add3A_256, %slice3A_257 : vector<1x32xf32>
    %slice3A_259 = vector.extract_strided_slice %transpose3A_29 {offsets = [115, 0], sizes = [1, 32], strides = [1, 1]} : vector<128x32xf32> to vector<1x32xf32>
    %add3A_260 = arith.addf %add3A_258, %slice3A_259 : vector<1x32xf32>
    %slice3A_261 = vector.extract_strided_slice %transpose3A_29 {offsets = [116, 0], sizes = [1, 32], strides = [1, 1]} : vector<128x32xf32> to vector<1x32xf32>
    %add3A_262 = arith.addf %add3A_260, %slice3A_261 : vector<1x32xf32>
    %slice3A_263 = vector.extract_strided_slice %transpose3A_29 {offsets = [117, 0], sizes = [1, 32], strides = [1, 1]} : vector<128x32xf32> to vector<1x32xf32>
    %add3A_264 = arith.addf %add3A_262, %slice3A_263 : vector<1x32xf32>
    %slice3A_265 = vector.extract_strided_slice %transpose3A_29 {offsets = [118, 0], sizes = [1, 32], strides = [1, 1]} : vector<128x32xf32> to vector<1x32xf32>
    %add3A_266 = arith.addf %add3A_264, %slice3A_265 : vector<1x32xf32>
    %slice3A_267 = vector.extract_strided_slice %transpose3A_29 {offsets = [119, 0], sizes = [1, 32], strides = [1, 1]} : vector<128x32xf32> to vector<1x32xf32>
    %add3A_268 = arith.addf %add3A_266, %slice3A_267 : vector<1x32xf32>
    %slice3A_269 = vector.extract_strided_slice %transpose3A_29 {offsets = [120, 0], sizes = [1, 32], strides = [1, 1]} : vector<128x32xf32> to vector<1x32xf32>
    %add3A_270 = arith.addf %add3A_268, %slice3A_269 : vector<1x32xf32>
    %slice3A_271 = vector.extract_strided_slice %transpose3A_29 {offsets = [121, 0], sizes = [1, 32], strides = [1, 1]} : vector<128x32xf32> to vector<1x32xf32>
    %add3A_272 = arith.addf %add3A_270, %slice3A_271 : vector<1x32xf32>
    %slice3A_273 = vector.extract_strided_slice %transpose3A_29 {offsets = [122, 0], sizes = [1, 32], strides = [1, 1]} : vector<128x32xf32> to vector<1x32xf32>
    %add3A_274 = arith.addf %add3A_272, %slice3A_273 : vector<1x32xf32>
    %slice3A_275 = vector.extract_strided_slice %transpose3A_29 {offsets = [123, 0], sizes = [1, 32], strides = [1, 1]} : vector<128x32xf32> to vector<1x32xf32>
    %add3A_276 = arith.addf %add3A_274, %slice3A_275 : vector<1x32xf32>
    %slice3A_277 = vector.extract_strided_slice %transpose3A_29 {offsets = [124, 0], sizes = [1, 32], strides = [1, 1]} : vector<128x32xf32> to vector<1x32xf32>
    %add3A_278 = arith.addf %add3A_276, %slice3A_277 : vector<1x32xf32>
    %slice3A_279 = vector.extract_strided_slice %transpose3A_29 {offsets = [125, 0], sizes = [1, 32], strides = [1, 1]} : vector<128x32xf32> to vector<1x32xf32>
    %add3A_280 = arith.addf %add3A_278, %slice3A_279 : vector<1x32xf32>
    %slice3A_281 = vector.extract_strided_slice %transpose3A_29 {offsets = [126, 0], sizes = [1, 32], strides = [1, 1]} : vector<128x32xf32> to vector<1x32xf32>
    %add3A_282 = arith.addf %add3A_280, %slice3A_281 : vector<1x32xf32>
    %slice3A_283 = vector.extract_strided_slice %transpose3A_29 {offsets = [127, 0], sizes = [1, 32], strides = [1, 1]} : vector<128x32xf32> to vector<1x32xf32>
    %add3A_284 = arith.addf %add3A_282, %slice3A_283 : vector<1x32xf32>
    %concatenate3A = tpu.concatenate %slice3A_30, %add3A_32, %add3A_34, %add3A_36, %add3A_38, %add3A_40, %add3A_42, %add3A_44, %add3A_46, %add3A_48, %add3A_50, %add3A_52, %add3A_54, %add3A_56, %add3A_58, %add3A_60, %add3A_62, %add3A_64, %add3A_66, %add3A_68, %add3A_70, %add3A_72, %add3A_74, %add3A_76, %add3A_78, %add3A_80, %add3A_82, %add3A_84, %add3A_86, %add3A_88, %add3A_90, %add3A_92, %add3A_94, %add3A_96, %add3A_98, %add3A_100, %add3A_102, %add3A_104, %add3A_106, %add3A_108, %add3A_110, %add3A_112, %add3A_114, %add3A_116, %add3A_118, %add3A_120, %add3A_122, %add3A_124, %add3A_126, %add3A_128, %add3A_130, %add3A_132, %add3A_134, %add3A_136, %add3A_138, %add3A_140, %add3A_142, %add3A_144, %add3A_146, %add3A_148, %add3A_150, %add3A_152, %add3A_154, %add3A_156, %add3A_158, %add3A_160, %add3A_162, %add3A_164, %add3A_166, %add3A_168, %add3A_170, %add3A_172, %add3A_174, %add3A_176, %add3A_178, %add3A_180, %add3A_182, %add3A_184, %add3A_186, %add3A_188, %add3A_190, %add3A_192, %add3A_194, %add3A_196, %add3A_198, %add3A_200, %add3A_202, %add3A_204, %add3A_206, %add3A_208, %add3A_210, %add3A_212, %add3A_214, %add3A_216, %add3A_218, %add3A_220, %add3A_222, %add3A_224, %add3A_226, %add3A_228, %add3A_230, %add3A_232, %add3A_234, %add3A_236, %add3A_238, %add3A_240, %add3A_242, %add3A_244, %add3A_246, %add3A_248, %add3A_250, %add3A_252, %add3A_254, %add3A_256, %add3A_258, %add3A_260, %add3A_262, %add3A_264, %add3A_266, %add3A_268, %add3A_270, %add3A_272, %add3A_274, %add3A_276, %add3A_278, %add3A_280, %add3A_282, %add3A_284 in 0 : vector<1x32xf32>, vector<1x32xf32>, vector<1x32xf32>, vector<1x32xf32>, vector<1x32xf32>, vector<1x32xf32>, vector<1x32xf32>, vector<1x32xf32>, vector<1x32xf32>, vector<1x32xf32>, vector<1x32xf32>, vector<1x32xf32>, vector<1x32xf32>, vector<1x32xf32>, vector<1x32xf32>, vector<1x32xf32>, vector<1x32xf32>, vector<1x32xf32>, vector<1x32xf32>, vector<1x32xf32>, vector<1x32xf32>, vector<1x32xf32>, vector<1x32xf32>, vector<1x32xf32>, vector<1x32xf32>, vector<1x32xf32>, vector<1x32xf32>, vector<1x32xf32>, vector<1x32xf32>, vector<1x32xf32>, vector<1x32xf32>, vector<1x32xf32>, vector<1x32xf32>, vector<1x32xf32>, vector<1x32xf32>, vector<1x32xf32>, vector<1x32xf32>, vector<1x32xf32>, vector<1x32xf32>, vector<1x32xf32>, vector<1x32xf32>, vector<1x32xf32>, vector<1x32xf32>, vector<1x32xf32>, vector<1x32xf32>, vector<1x32xf32>, vector<1x32xf32>, vector<1x32xf32>, vector<1x32xf32>, vector<1x32xf32>, vector<1x32xf32>, vector<1x32xf32>, vector<1x32xf32>, vector<1x32xf32>, vector<1x32xf32>, vector<1x32xf32>, vector<1x32xf32>, vector<1x32xf32>, vector<1x32xf32>, vector<1x32xf32>, vector<1x32xf32>, vector<1x32xf32>, vector<1x32xf32>, vector<1x32xf32>, vector<1x32xf32>, vector<1x32xf32>, vector<1x32xf32>, vector<1x32xf32>, vector<1x32xf32>, vector<1x32xf32>, vector<1x32xf32>, vector<1x32xf32>, vector<1x32xf32>, vector<1x32xf32>, vector<1x32xf32>, vector<1x32xf32>, vector<1x32xf32>, vector<1x32xf32>, vector<1x32xf32>, vector<1x32xf32>, vector<1x32xf32>, vector<1x32xf32>, vector<1x32xf32>, vector<1x32xf32>, vector<1x32xf32>, vector<1x32xf32>, vector<1x32xf32>, vector<1x32xf32>, vector<1x32xf32>, vector<1x32xf32>, vector<1x32xf32>, vector<1x32xf32>, vector<1x32xf32>, vector<1x32xf32>, vector<1x32xf32>, vector<1x32xf32>, vector<1x32xf32>, vector<1x32xf32>, vector<1x32xf32>, vector<1x32xf32>, vector<1x32xf32>, vector<1x32xf32>, vector<1x32xf32>, vector<1x32xf32>, vector<1x32xf32>, vector<1x32xf32>, vector<1x32xf32>, vector<1x32xf32>, vector<1x32xf32>, vector<1x32xf32>, vector<1x32xf32>, vector<1x32xf32>, vector<1x32xf32>, vector<1x32xf32>, vector<1x32xf32>, vector<1x32xf32>, vector<1x32xf32>, vector<1x32xf32>, vector<1x32xf32>, vector<1x32xf32>, vector<1x32xf32>, vector<1x32xf32>, vector<1x32xf32>, vector<1x32xf32>, vector<1x32xf32>, vector<1x32xf32>, vector<1x32xf32>, vector<1x32xf32> -> vector<128x32xf32>
    %transpose3A_285 = tpu.transpose %concatenate3A, [1, 0] : vector<128x32xf32> -> vector<32x128xf32>
    %get3A_286 = arith.constant 0 : index
    %get3A_287 = arith.constant 4 : index
    %get3A_288 = vector.load %arg8[%get3A_286, %get3A_287] : memref<32x128xf32, #tpu.memory_space<vmem>>, vector<32x1xf32>
    %add3A_289 = vector.broadcast %get3A_288 : vector<32x1xf32> to vector<32x128xf32>
    %add3A_290 = arith.addf %transpose3A_285, %add3A_289 : vector<32x128xf32>
    %get3A_291 = arith.constant 0 : index
    %get3A_292 = arith.constant 0 : index
    %get3A_293 = vector.load %arg9[%get3A_291, %get3A_292] : memref<32x128xi32, #tpu.memory_space<vmem>>, vector<32x1xi32>
    %lt3A_294 = vector.broadcast %get3A_9 : vector<32x1xf32> to vector<32x128xf32>
    %lt3A_295 = arith.cmpf olt, %add3A_290, %lt3A_294 : vector<32x128xf32>
    %convert_element_type3A_296 = arith.extui %lt3A_295 : vector<32x128xi1> to vector<32x128xi32>
    %reduce_sum3A = arith.constant dense<0> : vector<32xi32>
    %reduce_sum3A_297 = vector.multi_reduction <add>, %convert_element_type3A_296, %reduce_sum3A [1] : vector<32x128xi32> to vector<32xi32>
    %broadcast_in_dim3A_298 = vector.shape_cast %reduce_sum3A_297 : vector<32xi32> to vector<32x1xi32>
    %eq3A_299 = arith.constant 0 : i32
    %eq3A_300 = vector.broadcast %eq3A_299 : i32 to vector<32x1xi32>
    %eq3A_301 = arith.cmpi eq, %get3A_293, %eq3A_300 : vector<32x1xi32>
    %lt3A_302 = arith.constant 128 : i32
    %lt3A_303 = vector.broadcast %lt3A_302 : i32 to vector<32x1xi32>
    %lt3A_304 = arith.cmpi slt, %broadcast_in_dim3A_298, %lt3A_303 : vector<32x1xi32>
    %and3A = arith.andi %eq3A_301, %lt3A_304 : vector<32x1xi1>
    %get3A_305 = arith.constant 0 : index
    %get3A_306 = arith.constant 1 : index
    %get3A_307 = vector.load %arg8[%get3A_305, %get3A_306] : memref<32x128xf32, #tpu.memory_space<vmem>>, vector<32x3xf32>
    %broadcast_in_dim3A_308 = arith.constant 0.000000e+00 : f32
    %broadcast_in_dim3A_309 = vector.broadcast %broadcast_in_dim3A_308 : f32 to vector<32x125xf32>
    %concatenate3A_310 = tpu.concatenate %get3A_307, %add3A_290, %broadcast_in_dim3A_309 in 1 : vector<32x3xf32>, vector<32x128xf32>, vector<32x125xf32> -> vector<32x256xf32>
    %iota3A_311 = tpu.iota {dimensions = array<i32: 1>} : vector<32x256xi32>
    %mul3A_312 = arith.constant 256 : i32
    %mul3A_313 = arith.muli %arg0, %mul3A_312 : i32
    %add3A_314 = arith.constant 0 : i32
    %add3A_315 = arith.addi %mul3A_313, %add3A_314 : i32
    %add3A_316 = vector.broadcast %add3A_315 : i32 to vector<32x1xi32>
    %add3A_317 = arith.addi %add3A_316, %broadcast_in_dim3A_298 : vector<32x1xi32>
    %sub3A_318 = arith.constant 2 : i32
    %sub3A_319 = vector.broadcast %sub3A_318 : i32 to vector<32x1xi32>
    %sub3A_320 = arith.subi %add3A_317, %sub3A_319 : vector<32x1xi32>
    %max3A = arith.constant 0 : i32
    %max3A_321 = vector.broadcast %max3A : i32 to vector<32x1xi32>
    %max3A_322 = arith.maxsi %sub3A_320, %max3A_321 : vector<32x1xi32>
    %sub3A_323 = vector.broadcast %add3A_315 : i32 to vector<32x1xi32>
    %sub3A_324 = arith.subi %max3A_322, %sub3A_323 : vector<32x1xi32>
    %add3A_325 = arith.constant 2 : i32
    %add3A_326 = vector.broadcast %add3A_325 : i32 to vector<32x1xi32>
    %add3A_327 = arith.addi %sub3A_324, %add3A_326 : vector<32x1xi32>
    %add3A_328 = arith.constant 0 : i32
    %add3A_329 = vector.broadcast %add3A_328 : i32 to vector<32x1xi32>
    %add3A_330 = arith.addi %add3A_327, %add3A_329 : vector<32x1xi32>
    %eq3A_331 = vector.broadcast %add3A_330 : vector<32x1xi32> to vector<32x256xi32>
    %eq3A_332 = arith.cmpi eq, %iota3A_311, %eq3A_331 : vector<32x256xi32>
    %convert_element_type3A_333 = arith.extui %eq3A_332 : vector<32x256xi1> to vector<32x256xi32>
    %convert_element_type3A_334 = arith.sitofp %convert_element_type3A_333 : vector<32x256xi32> to vector<32x256xf32>
    %mul3A_335 = arith.mulf %concatenate3A_310, %convert_element_type3A_334 : vector<32x256xf32>
    %reduce_sum3A_336 = arith.constant dense<0.000000e+00> : vector<32xf32>
    %reduce_sum3A_337 = vector.multi_reduction <add>, %mul3A_335, %reduce_sum3A_336 [1] : vector<32x256xf32> to vector<32xf32>
    %broadcast_in_dim3A_338 = vector.shape_cast %reduce_sum3A_337 : vector<32xf32> to vector<32x1xf32>
    %get3A_339 = arith.constant 0 : index
    %get3A_340 = arith.constant 8 : index
    %get3A_341 = vector.load %arg8[%get3A_339, %get3A_340] : memref<32x128xf32, #tpu.memory_space<vmem>>, vector<32x1xf32>
    %select_n3A_342 = arith.select %and3A, %broadcast_in_dim3A_338, %get3A_341 : vector<32x1xi1>, vector<32x1xf32>
    %swap3A_343 = arith.constant 0 : index
    %swap3A_344 = arith.constant 8 : index
    %swap3A_345 = vector.load %arg8[%swap3A_343, %swap3A_344] : memref<32x128xf32, #tpu.memory_space<vmem>>, vector<32x1xf32>
    tpu.vector_store %arg8[%swap3A_343, %swap3A_344], %select_n3A_342 {strides = array<i32>} : memref<32x128xf32, #tpu.memory_space<vmem>>, vector<32x1xf32>,
    %add3A_346 = arith.constant 2 : i32
    %add3A_347 = vector.broadcast %add3A_346 : i32 to vector<32x1xi32>
    %add3A_348 = arith.addi %sub3A_324, %add3A_347 : vector<32x1xi32>
    %add3A_349 = arith.constant 1 : i32
    %add3A_350 = vector.broadcast %add3A_349 : i32 to vector<32x1xi32>
    %add3A_351 = arith.addi %add3A_348, %add3A_350 : vector<32x1xi32>
    %eq3A_352 = vector.broadcast %add3A_351 : vector<32x1xi32> to vector<32x256xi32>
    %eq3A_353 = arith.cmpi eq, %iota3A_311, %eq3A_352 : vector<32x256xi32>
    %convert_element_type3A_354 = arith.extui %eq3A_353 : vector<32x256xi1> to vector<32x256xi32>
    %convert_element_type3A_355 = arith.sitofp %convert_element_type3A_354 : vector<32x256xi32> to vector<32x256xf32>
    %mul3A_356 = arith.mulf %concatenate3A_310, %convert_element_type3A_355 : vector<32x256xf32>
    %reduce_sum3A_357 = arith.constant dense<0.000000e+00> : vector<32xf32>
    %reduce_sum3A_358 = vector.multi_reduction <add>, %mul3A_356, %reduce_sum3A_357 [1] : vector<32x256xf32> to vector<32xf32>
    %broadcast_in_dim3A_359 = vector.shape_cast %reduce_sum3A_358 : vector<32xf32> to vector<32x1xf32>
    %get3A_360 = arith.constant 0 : index
    %get3A_361 = arith.constant 9 : index
    %get3A_362 = vector.load %arg8[%get3A_360, %get3A_361] : memref<32x128xf32, #tpu.memory_space<vmem>>, vector<32x1xf32>
    %select_n3A_363 = arith.select %and3A, %broadcast_in_dim3A_359, %get3A_362 : vector<32x1xi1>, vector<32x1xf32>
    %swap3A_364 = arith.constant 0 : index
    %swap3A_365 = arith.constant 9 : index
    %swap3A_366 = vector.load %arg8[%swap3A_364, %swap3A_365] : memref<32x128xf32, #tpu.memory_space<vmem>>, vector<32x1xf32>
    tpu.vector_store %arg8[%swap3A_364, %swap3A_365], %select_n3A_363 {strides = array<i32>} : memref<32x128xf32, #tpu.memory_space<vmem>>, vector<32x1xf32>,
    %add3A_367 = arith.constant 2 : i32
    %add3A_368 = vector.broadcast %add3A_367 : i32 to vector<32x1xi32>
    %add3A_369 = arith.addi %sub3A_324, %add3A_368 : vector<32x1xi32>
    %add3A_370 = arith.constant 2 : i32
    %add3A_371 = vector.broadcast %add3A_370 : i32 to vector<32x1xi32>
    %add3A_372 = arith.addi %add3A_369, %add3A_371 : vector<32x1xi32>
    %eq3A_373 = vector.broadcast %add3A_372 : vector<32x1xi32> to vector<32x256xi32>
    %eq3A_374 = arith.cmpi eq, %iota3A_311, %eq3A_373 : vector<32x256xi32>
    %convert_element_type3A_375 = arith.extui %eq3A_374 : vector<32x256xi1> to vector<32x256xi32>
    %convert_element_type3A_376 = arith.sitofp %convert_element_type3A_375 : vector<32x256xi32> to vector<32x256xf32>
    %mul3A_377 = arith.mulf %concatenate3A_310, %convert_element_type3A_376 : vector<32x256xf32>
    %reduce_sum3A_378 = arith.constant dense<0.000000e+00> : vector<32xf32>
    %reduce_sum3A_379 = vector.multi_reduction <add>, %mul3A_377, %reduce_sum3A_378 [1] : vector<32x256xf32> to vector<32xf32>
    %broadcast_in_dim3A_380 = vector.shape_cast %reduce_sum3A_379 : vector<32xf32> to vector<32x1xf32>
    %get3A_381 = arith.constant 0 : index
    %get3A_382 = arith.constant 10 : index
    %get3A_383 = vector.load %arg8[%get3A_381, %get3A_382] : memref<32x128xf32, #tpu.memory_space<vmem>>, vector<32x1xf32>
    %select_n3A_384 = arith.select %and3A, %broadcast_in_dim3A_380, %get3A_383 : vector<32x1xi1>, vector<32x1xf32>
    %swap3A_385 = arith.constant 0 : index
    %swap3A_386 = arith.constant 10 : index
    %swap3A_387 = vector.load %arg8[%swap3A_385, %swap3A_386] : memref<32x128xf32, #tpu.memory_space<vmem>>, vector<32x1xf32>
    tpu.vector_store %arg8[%swap3A_385, %swap3A_386], %select_n3A_384 {strides = array<i32>} : memref<32x128xf32, #tpu.memory_space<vmem>>, vector<32x1xf32>,
    %add3A_388 = arith.constant 2 : i32
    %add3A_389 = vector.broadcast %add3A_388 : i32 to vector<32x1xi32>
    %add3A_390 = arith.addi %sub3A_324, %add3A_389 : vector<32x1xi32>
    %add3A_391 = arith.constant 3 : i32
    %add3A_392 = vector.broadcast %add3A_391 : i32 to vector<32x1xi32>
    %add3A_393 = arith.addi %add3A_390, %add3A_392 : vector<32x1xi32>
    %eq3A_394 = vector.broadcast %add3A_393 : vector<32x1xi32> to vector<32x256xi32>
    %eq3A_395 = arith.cmpi eq, %iota3A_311, %eq3A_394 : vector<32x256xi32>
    %convert_element_type3A_396 = arith.extui %eq3A_395 : vector<32x256xi1> to vector<32x256xi32>
    %convert_element_type3A_397 = arith.sitofp %convert_element_type3A_396 : vector<32x256xi32> to vector<32x256xf32>
    %mul3A_398 = arith.mulf %concatenate3A_310, %convert_element_type3A_397 : vector<32x256xf32>
    %reduce_sum3A_399 = arith.constant dense<0.000000e+00> : vector<32xf32>
    %reduce_sum3A_400 = vector.multi_reduction <add>, %mul3A_398, %reduce_sum3A_399 [1] : vector<32x256xf32> to vector<32xf32>
    %broadcast_in_dim3A_401 = vector.shape_cast %reduce_sum3A_400 : vector<32xf32> to vector<32x1xf32>
    %get3A_402 = arith.constant 0 : index
    %get3A_403 = arith.constant 11 : index
    %get3A_404 = vector.load %arg8[%get3A_402, %get3A_403] : memref<32x128xf32, #tpu.memory_space<vmem>>, vector<32x1xf32>
    %select_n3A_405 = arith.select %and3A, %broadcast_in_dim3A_401, %get3A_404 : vector<32x1xi1>, vector<32x1xf32>
    %swap3A_406 = arith.constant 0 : index
    %swap3A_407 = arith.constant 11 : index
    %swap3A_408 = vector.load %arg8[%swap3A_406, %swap3A_407] : memref<32x128xf32, #tpu.memory_space<vmem>>, vector<32x1xf32>
    tpu.vector_store %arg8[%swap3A_406, %swap3A_407], %select_n3A_405 {strides = array<i32>} : memref<32x128xf32, #tpu.memory_space<vmem>>, vector<32x1xf32>,
    %get3A_409 = arith.constant 0 : index
    %get3A_410 = arith.constant 1 : index
    %get3A_411 = vector.load %arg9[%get3A_409, %get3A_410] : memref<32x128xi32, #tpu.memory_space<vmem>>, vector<32x1xi32>
    %select_n3A_412 = arith.select %and3A, %max3A_322, %get3A_411 : vector<32x1xi1>, vector<32x1xi32>
    %swap3A_413 = arith.constant 0 : index
    %swap3A_414 = arith.constant 1 : index
    %swap3A_415 = vector.load %arg9[%swap3A_413, %swap3A_414] : memref<32x128xi32, #tpu.memory_space<vmem>>, vector<32x1xi32>
    tpu.vector_store %arg9[%swap3A_413, %swap3A_414], %select_n3A_412 {strides = array<i32>} : memref<32x128xi32, #tpu.memory_space<vmem>>, vector<32x1xi32>,
    %jit3A_416 = arith.constant 1 : i32
    %broadcast_in_dim3A_417 = vector.broadcast %jit3A_416 : i32 to vector<32x1xi32>
    %select_n3A_418 = arith.select %and3A, %broadcast_in_dim3A_417, %get3A_293 : vector<32x1xi1>, vector<32x1xi32>
    %swap3A_419 = arith.constant 0 : index
    %swap3A_420 = arith.constant 0 : index
    %swap3A_421 = vector.load %arg9[%swap3A_419, %swap3A_420] : memref<32x128xi32, #tpu.memory_space<vmem>>, vector<32x1xi32>
    tpu.vector_store %arg9[%swap3A_419, %swap3A_420], %select_n3A_418 {strides = array<i32>} : memref<32x128xi32, #tpu.memory_space<vmem>>, vector<32x1xi32>,
    %slice3A_422 = vector.extract_strided_slice %add3A_290 {offsets = [0, 125], sizes = [32, 3], strides = [1, 1]} : vector<32x128xf32> to vector<32x3xf32>
    %swap3A_423 = arith.constant 0 : index
    %swap3A_424 = arith.constant 1 : index
    %swap3A_425 = vector.load %arg8[%swap3A_423, %swap3A_424] : memref<32x128xf32, #tpu.memory_space<vmem>>, vector<32x3xf32>
    tpu.vector_store %arg8[%swap3A_423, %swap3A_424], %slice3A_422 {strides = array<i32>} : memref<32x128xf32, #tpu.memory_space<vmem>>, vector<32x3xf32>,
    %slice3A_426 = vector.extract_strided_slice %transpose3A_285 {offsets = [0, 127], sizes = [32, 1], strides = [1, 1]} : vector<32x128xf32> to vector<32x1xf32>
    %add3A_427 = arith.addf %get3A_288, %slice3A_426 : vector<32x1xf32>
    %swap3A_428 = arith.constant 0 : index
    %swap3A_429 = arith.constant 4 : index
    %swap3A_430 = vector.load %arg8[%swap3A_428, %swap3A_429] : memref<32x128xf32, #tpu.memory_space<vmem>>, vector<32x1xf32>
    tpu.vector_store %arg8[%swap3A_428, %swap3A_429], %add3A_427 {strides = array<i32>} : memref<32x128xf32, #tpu.memory_space<vmem>>, vector<32x1xf32>,
    %slice3A_431 = vector.extract_strided_slice %div3A_18 {offsets = [0, 16384], sizes = [32, 16384], strides = [1, 1]} : vector<32x32768xf32> to vector<32x16384xf32>
    %reshape3A_432 = vector.shape_cast %slice3A_431 : vector<32x16384xf32> to vector<32x128x128xf32>
    %transpose3A_433 = tpu.transpose %reshape3A_432, [0, 2, 1] : vector<32x128x128xf32> -> vector<32x128x128xf32>
    %swap3A_434 = arith.constant 0 : index
    %swap3A_435 = arith.constant 0 : index
    %swap3A_436 = arith.constant 0 : index
    %swap3A_437 = vector.load %arg7[%swap3A_434, %swap3A_435, %swap3A_436] : memref<32x128x128xf32, #tpu.memory_space<vmem>>, vector<32x128x128xf32>
    tpu.vector_store %arg7[%swap3A_434, %swap3A_435, %swap3A_436], %transpose3A_433 {strides = array<i32>} : memref<32x128x128xf32, #tpu.memory_space<vmem>>, vector<32x128x128xf32>,
    %broadcast_in_dim3A_438 = arith.constant 0.000000e+00 : f32
    %broadcast_in_dim3A_439 = vector.broadcast %broadcast_in_dim3A_438 : f32 to vector<32x128xf32>
    %scan3A_440 = arith.constant 0 : i32
    %scan3A_441 = arith.constant 128 : i32
    %scan3A_442 = arith.addi %scan3A_440, %scan3A_441 : i32
    %scan3A_443 = arith.constant 1 : i32
    %scan3A_444 = scf.for %scan3A_857 = %scan3A_440 to %scan3A_442 step %scan3A_443 iter_args(%scan3A_858 = %broadcast_in_dim3A_439) -> (vector<32x128xf32>)  : i32 {
      %get3A_859 = arith.constant 0 : index
      %get3A_860 = arith.index_cast %scan3A_857 : i32 to index
      %get3A_861 = arith.constant 0 : index
      %get3A_862 = vector.load %arg7[%get3A_859, %get3A_860, %get3A_861] : memref<32x128x128xf32, #tpu.memory_space<vmem>>, vector<32x1x128xf32>
      %get3A_863 = vector.shape_cast %get3A_862 : vector<32x1x128xf32> to vector<32x128xf32>
      %add3A_864 = arith.addf %scan3A_858, %get3A_863 : vector<32x128xf32>
      scf.yield %add3A_864 : vector<32x128xf32>
    }
    %scan3A_445 = arith.constant 128 : i32
    %transpose3A_446 = tpu.transpose %scan3A_444, [1, 0] : vector<32x128xf32> -> vector<128x32xf32>
    %slice3A_447 = vector.extract_strided_slice %transpose3A_446 {offsets = [0, 0], sizes = [1, 32], strides = [1, 1]} : vector<128x32xf32> to vector<1x32xf32>
    %slice3A_448 = vector.extract_strided_slice %transpose3A_446 {offsets = [1, 0], sizes = [1, 32], strides = [1, 1]} : vector<128x32xf32> to vector<1x32xf32>
    %add3A_449 = arith.addf %slice3A_447, %slice3A_448 : vector<1x32xf32>
    %slice3A_450 = vector.extract_strided_slice %transpose3A_446 {offsets = [2, 0], sizes = [1, 32], strides = [1, 1]} : vector<128x32xf32> to vector<1x32xf32>
    %add3A_451 = arith.addf %add3A_449, %slice3A_450 : vector<1x32xf32>
    %slice3A_452 = vector.extract_strided_slice %transpose3A_446 {offsets = [3, 0], sizes = [1, 32], strides = [1, 1]} : vector<128x32xf32> to vector<1x32xf32>
    %add3A_453 = arith.addf %add3A_451, %slice3A_452 : vector<1x32xf32>
    %slice3A_454 = vector.extract_strided_slice %transpose3A_446 {offsets = [4, 0], sizes = [1, 32], strides = [1, 1]} : vector<128x32xf32> to vector<1x32xf32>
    %add3A_455 = arith.addf %add3A_453, %slice3A_454 : vector<1x32xf32>
    %slice3A_456 = vector.extract_strided_slice %transpose3A_446 {offsets = [5, 0], sizes = [1, 32], strides = [1, 1]} : vector<128x32xf32> to vector<1x32xf32>
    %add3A_457 = arith.addf %add3A_455, %slice3A_456 : vector<1x32xf32>
    %slice3A_458 = vector.extract_strided_slice %transpose3A_446 {offsets = [6, 0], sizes = [1, 32], strides = [1, 1]} : vector<128x32xf32> to vector<1x32xf32>
    %add3A_459 = arith.addf %add3A_457, %slice3A_458 : vector<1x32xf32>
    %slice3A_460 = vector.extract_strided_slice %transpose3A_446 {offsets = [7, 0], sizes = [1, 32], strides = [1, 1]} : vector<128x32xf32> to vector<1x32xf32>
    %add3A_461 = arith.addf %add3A_459, %slice3A_460 : vector<1x32xf32>
    %slice3A_462 = vector.extract_strided_slice %transpose3A_446 {offsets = [8, 0], sizes = [1, 32], strides = [1, 1]} : vector<128x32xf32> to vector<1x32xf32>
    %add3A_463 = arith.addf %add3A_461, %slice3A_462 : vector<1x32xf32>
    %slice3A_464 = vector.extract_strided_slice %transpose3A_446 {offsets = [9, 0], sizes = [1, 32], strides = [1, 1]} : vector<128x32xf32> to vector<1x32xf32>
    %add3A_465 = arith.addf %add3A_463, %slice3A_464 : vector<1x32xf32>
    %slice3A_466 = vector.extract_strided_slice %transpose3A_446 {offsets = [10, 0], sizes = [1, 32], strides = [1, 1]} : vector<128x32xf32> to vector<1x32xf32>
    %add3A_467 = arith.addf %add3A_465, %slice3A_466 : vector<1x32xf32>
    %slice3A_468 = vector.extract_strided_slice %transpose3A_446 {offsets = [11, 0], sizes = [1, 32], strides = [1, 1]} : vector<128x32xf32> to vector<1x32xf32>
    %add3A_469 = arith.addf %add3A_467, %slice3A_468 : vector<1x32xf32>
    %slice3A_470 = vector.extract_strided_slice %transpose3A_446 {offsets = [12, 0], sizes = [1, 32], strides = [1, 1]} : vector<128x32xf32> to vector<1x32xf32>
    %add3A_471 = arith.addf %add3A_469, %slice3A_470 : vector<1x32xf32>
    %slice3A_472 = vector.extract_strided_slice %transpose3A_446 {offsets = [13, 0], sizes = [1, 32], strides = [1, 1]} : vector<128x32xf32> to vector<1x32xf32>
    %add3A_473 = arith.addf %add3A_471, %slice3A_472 : vector<1x32xf32>
    %slice3A_474 = vector.extract_strided_slice %transpose3A_446 {offsets = [14, 0], sizes = [1, 32], strides = [1, 1]} : vector<128x32xf32> to vector<1x32xf32>
    %add3A_475 = arith.addf %add3A_473, %slice3A_474 : vector<1x32xf32>
    %slice3A_476 = vector.extract_strided_slice %transpose3A_446 {offsets = [15, 0], sizes = [1, 32], strides = [1, 1]} : vector<128x32xf32> to vector<1x32xf32>
    %add3A_477 = arith.addf %add3A_475, %slice3A_476 : vector<1x32xf32>
    %slice3A_478 = vector.extract_strided_slice %transpose3A_446 {offsets = [16, 0], sizes = [1, 32], strides = [1, 1]} : vector<128x32xf32> to vector<1x32xf32>
    %add3A_479 = arith.addf %add3A_477, %slice3A_478 : vector<1x32xf32>
    %slice3A_480 = vector.extract_strided_slice %transpose3A_446 {offsets = [17, 0], sizes = [1, 32], strides = [1, 1]} : vector<128x32xf32> to vector<1x32xf32>
    %add3A_481 = arith.addf %add3A_479, %slice3A_480 : vector<1x32xf32>
    %slice3A_482 = vector.extract_strided_slice %transpose3A_446 {offsets = [18, 0], sizes = [1, 32], strides = [1, 1]} : vector<128x32xf32> to vector<1x32xf32>
    %add3A_483 = arith.addf %add3A_481, %slice3A_482 : vector<1x32xf32>
    %slice3A_484 = vector.extract_strided_slice %transpose3A_446 {offsets = [19, 0], sizes = [1, 32], strides = [1, 1]} : vector<128x32xf32> to vector<1x32xf32>
    %add3A_485 = arith.addf %add3A_483, %slice3A_484 : vector<1x32xf32>
    %slice3A_486 = vector.extract_strided_slice %transpose3A_446 {offsets = [20, 0], sizes = [1, 32], strides = [1, 1]} : vector<128x32xf32> to vector<1x32xf32>
    %add3A_487 = arith.addf %add3A_485, %slice3A_486 : vector<1x32xf32>
    %slice3A_488 = vector.extract_strided_slice %transpose3A_446 {offsets = [21, 0], sizes = [1, 32], strides = [1, 1]} : vector<128x32xf32> to vector<1x32xf32>
    %add3A_489 = arith.addf %add3A_487, %slice3A_488 : vector<1x32xf32>
    %slice3A_490 = vector.extract_strided_slice %transpose3A_446 {offsets = [22, 0], sizes = [1, 32], strides = [1, 1]} : vector<128x32xf32> to vector<1x32xf32>
    %add3A_491 = arith.addf %add3A_489, %slice3A_490 : vector<1x32xf32>
    %slice3A_492 = vector.extract_strided_slice %transpose3A_446 {offsets = [23, 0], sizes = [1, 32], strides = [1, 1]} : vector<128x32xf32> to vector<1x32xf32>
    %add3A_493 = arith.addf %add3A_491, %slice3A_492 : vector<1x32xf32>
    %slice3A_494 = vector.extract_strided_slice %transpose3A_446 {offsets = [24, 0], sizes = [1, 32], strides = [1, 1]} : vector<128x32xf32> to vector<1x32xf32>
    %add3A_495 = arith.addf %add3A_493, %slice3A_494 : vector<1x32xf32>
    %slice3A_496 = vector.extract_strided_slice %transpose3A_446 {offsets = [25, 0], sizes = [1, 32], strides = [1, 1]} : vector<128x32xf32> to vector<1x32xf32>
    %add3A_497 = arith.addf %add3A_495, %slice3A_496 : vector<1x32xf32>
    %slice3A_498 = vector.extract_strided_slice %transpose3A_446 {offsets = [26, 0], sizes = [1, 32], strides = [1, 1]} : vector<128x32xf32> to vector<1x32xf32>
    %add3A_499 = arith.addf %add3A_497, %slice3A_498 : vector<1x32xf32>
    %slice3A_500 = vector.extract_strided_slice %transpose3A_446 {offsets = [27, 0], sizes = [1, 32], strides = [1, 1]} : vector<128x32xf32> to vector<1x32xf32>
    %add3A_501 = arith.addf %add3A_499, %slice3A_500 : vector<1x32xf32>
    %slice3A_502 = vector.extract_strided_slice %transpose3A_446 {offsets = [28, 0], sizes = [1, 32], strides = [1, 1]} : vector<128x32xf32> to vector<1x32xf32>
    %add3A_503 = arith.addf %add3A_501, %slice3A_502 : vector<1x32xf32>
    %slice3A_504 = vector.extract_strided_slice %transpose3A_446 {offsets = [29, 0], sizes = [1, 32], strides = [1, 1]} : vector<128x32xf32> to vector<1x32xf32>
    %add3A_505 = arith.addf %add3A_503, %slice3A_504 : vector<1x32xf32>
    %slice3A_506 = vector.extract_strided_slice %transpose3A_446 {offsets = [30, 0], sizes = [1, 32], strides = [1, 1]} : vector<128x32xf32> to vector<1x32xf32>
    %add3A_507 = arith.addf %add3A_505, %slice3A_506 : vector<1x32xf32>
    %slice3A_508 = vector.extract_strided_slice %transpose3A_446 {offsets = [31, 0], sizes = [1, 32], strides = [1, 1]} : vector<128x32xf32> to vector<1x32xf32>
    %add3A_509 = arith.addf %add3A_507, %slice3A_508 : vector<1x32xf32>
    %slice3A_510 = vector.extract_strided_slice %transpose3A_446 {offsets = [32, 0], sizes = [1, 32], strides = [1, 1]} : vector<128x32xf32> to vector<1x32xf32>
    %add3A_511 = arith.addf %add3A_509, %slice3A_510 : vector<1x32xf32>
    %slice3A_512 = vector.extract_strided_slice %transpose3A_446 {offsets = [33, 0], sizes = [1, 32], strides = [1, 1]} : vector<128x32xf32> to vector<1x32xf32>
    %add3A_513 = arith.addf %add3A_511, %slice3A_512 : vector<1x32xf32>
    %slice3A_514 = vector.extract_strided_slice %transpose3A_446 {offsets = [34, 0], sizes = [1, 32], strides = [1, 1]} : vector<128x32xf32> to vector<1x32xf32>
    %add3A_515 = arith.addf %add3A_513, %slice3A_514 : vector<1x32xf32>
    %slice3A_516 = vector.extract_strided_slice %transpose3A_446 {offsets = [35, 0], sizes = [1, 32], strides = [1, 1]} : vector<128x32xf32> to vector<1x32xf32>
    %add3A_517 = arith.addf %add3A_515, %slice3A_516 : vector<1x32xf32>
    %slice3A_518 = vector.extract_strided_slice %transpose3A_446 {offsets = [36, 0], sizes = [1, 32], strides = [1, 1]} : vector<128x32xf32> to vector<1x32xf32>
    %add3A_519 = arith.addf %add3A_517, %slice3A_518 : vector<1x32xf32>
    %slice3A_520 = vector.extract_strided_slice %transpose3A_446 {offsets = [37, 0], sizes = [1, 32], strides = [1, 1]} : vector<128x32xf32> to vector<1x32xf32>
    %add3A_521 = arith.addf %add3A_519, %slice3A_520 : vector<1x32xf32>
    %slice3A_522 = vector.extract_strided_slice %transpose3A_446 {offsets = [38, 0], sizes = [1, 32], strides = [1, 1]} : vector<128x32xf32> to vector<1x32xf32>
    %add3A_523 = arith.addf %add3A_521, %slice3A_522 : vector<1x32xf32>
    %slice3A_524 = vector.extract_strided_slice %transpose3A_446 {offsets = [39, 0], sizes = [1, 32], strides = [1, 1]} : vector<128x32xf32> to vector<1x32xf32>
    %add3A_525 = arith.addf %add3A_523, %slice3A_524 : vector<1x32xf32>
    %slice3A_526 = vector.extract_strided_slice %transpose3A_446 {offsets = [40, 0], sizes = [1, 32], strides = [1, 1]} : vector<128x32xf32> to vector<1x32xf32>
    %add3A_527 = arith.addf %add3A_525, %slice3A_526 : vector<1x32xf32>
    %slice3A_528 = vector.extract_strided_slice %transpose3A_446 {offsets = [41, 0], sizes = [1, 32], strides = [1, 1]} : vector<128x32xf32> to vector<1x32xf32>
    %add3A_529 = arith.addf %add3A_527, %slice3A_528 : vector<1x32xf32>
    %slice3A_530 = vector.extract_strided_slice %transpose3A_446 {offsets = [42, 0], sizes = [1, 32], strides = [1, 1]} : vector<128x32xf32> to vector<1x32xf32>
    %add3A_531 = arith.addf %add3A_529, %slice3A_530 : vector<1x32xf32>
    %slice3A_532 = vector.extract_strided_slice %transpose3A_446 {offsets = [43, 0], sizes = [1, 32], strides = [1, 1]} : vector<128x32xf32> to vector<1x32xf32>
    %add3A_533 = arith.addf %add3A_531, %slice3A_532 : vector<1x32xf32>
    %slice3A_534 = vector.extract_strided_slice %transpose3A_446 {offsets = [44, 0], sizes = [1, 32], strides = [1, 1]} : vector<128x32xf32> to vector<1x32xf32>
    %add3A_535 = arith.addf %add3A_533, %slice3A_534 : vector<1x32xf32>
    %slice3A_536 = vector.extract_strided_slice %transpose3A_446 {offsets = [45, 0], sizes = [1, 32], strides = [1, 1]} : vector<128x32xf32> to vector<1x32xf32>
    %add3A_537 = arith.addf %add3A_535, %slice3A_536 : vector<1x32xf32>
    %slice3A_538 = vector.extract_strided_slice %transpose3A_446 {offsets = [46, 0], sizes = [1, 32], strides = [1, 1]} : vector<128x32xf32> to vector<1x32xf32>
    %add3A_539 = arith.addf %add3A_537, %slice3A_538 : vector<1x32xf32>
    %slice3A_540 = vector.extract_strided_slice %transpose3A_446 {offsets = [47, 0], sizes = [1, 32], strides = [1, 1]} : vector<128x32xf32> to vector<1x32xf32>
    %add3A_541 = arith.addf %add3A_539, %slice3A_540 : vector<1x32xf32>
    %slice3A_542 = vector.extract_strided_slice %transpose3A_446 {offsets = [48, 0], sizes = [1, 32], strides = [1, 1]} : vector<128x32xf32> to vector<1x32xf32>
    %add3A_543 = arith.addf %add3A_541, %slice3A_542 : vector<1x32xf32>
    %slice3A_544 = vector.extract_strided_slice %transpose3A_446 {offsets = [49, 0], sizes = [1, 32], strides = [1, 1]} : vector<128x32xf32> to vector<1x32xf32>
    %add3A_545 = arith.addf %add3A_543, %slice3A_544 : vector<1x32xf32>
    %slice3A_546 = vector.extract_strided_slice %transpose3A_446 {offsets = [50, 0], sizes = [1, 32], strides = [1, 1]} : vector<128x32xf32> to vector<1x32xf32>
    %add3A_547 = arith.addf %add3A_545, %slice3A_546 : vector<1x32xf32>
    %slice3A_548 = vector.extract_strided_slice %transpose3A_446 {offsets = [51, 0], sizes = [1, 32], strides = [1, 1]} : vector<128x32xf32> to vector<1x32xf32>
    %add3A_549 = arith.addf %add3A_547, %slice3A_548 : vector<1x32xf32>
    %slice3A_550 = vector.extract_strided_slice %transpose3A_446 {offsets = [52, 0], sizes = [1, 32], strides = [1, 1]} : vector<128x32xf32> to vector<1x32xf32>
    %add3A_551 = arith.addf %add3A_549, %slice3A_550 : vector<1x32xf32>
    %slice3A_552 = vector.extract_strided_slice %transpose3A_446 {offsets = [53, 0], sizes = [1, 32], strides = [1, 1]} : vector<128x32xf32> to vector<1x32xf32>
    %add3A_553 = arith.addf %add3A_551, %slice3A_552 : vector<1x32xf32>
    %slice3A_554 = vector.extract_strided_slice %transpose3A_446 {offsets = [54, 0], sizes = [1, 32], strides = [1, 1]} : vector<128x32xf32> to vector<1x32xf32>
    %add3A_555 = arith.addf %add3A_553, %slice3A_554 : vector<1x32xf32>
    %slice3A_556 = vector.extract_strided_slice %transpose3A_446 {offsets = [55, 0], sizes = [1, 32], strides = [1, 1]} : vector<128x32xf32> to vector<1x32xf32>
    %add3A_557 = arith.addf %add3A_555, %slice3A_556 : vector<1x32xf32>
    %slice3A_558 = vector.extract_strided_slice %transpose3A_446 {offsets = [56, 0], sizes = [1, 32], strides = [1, 1]} : vector<128x32xf32> to vector<1x32xf32>
    %add3A_559 = arith.addf %add3A_557, %slice3A_558 : vector<1x32xf32>
    %slice3A_560 = vector.extract_strided_slice %transpose3A_446 {offsets = [57, 0], sizes = [1, 32], strides = [1, 1]} : vector<128x32xf32> to vector<1x32xf32>
    %add3A_561 = arith.addf %add3A_559, %slice3A_560 : vector<1x32xf32>
    %slice3A_562 = vector.extract_strided_slice %transpose3A_446 {offsets = [58, 0], sizes = [1, 32], strides = [1, 1]} : vector<128x32xf32> to vector<1x32xf32>
    %add3A_563 = arith.addf %add3A_561, %slice3A_562 : vector<1x32xf32>
    %slice3A_564 = vector.extract_strided_slice %transpose3A_446 {offsets = [59, 0], sizes = [1, 32], strides = [1, 1]} : vector<128x32xf32> to vector<1x32xf32>
    %add3A_565 = arith.addf %add3A_563, %slice3A_564 : vector<1x32xf32>
    %slice3A_566 = vector.extract_strided_slice %transpose3A_446 {offsets = [60, 0], sizes = [1, 32], strides = [1, 1]} : vector<128x32xf32> to vector<1x32xf32>
    %add3A_567 = arith.addf %add3A_565, %slice3A_566 : vector<1x32xf32>
    %slice3A_568 = vector.extract_strided_slice %transpose3A_446 {offsets = [61, 0], sizes = [1, 32], strides = [1, 1]} : vector<128x32xf32> to vector<1x32xf32>
    %add3A_569 = arith.addf %add3A_567, %slice3A_568 : vector<1x32xf32>
    %slice3A_570 = vector.extract_strided_slice %transpose3A_446 {offsets = [62, 0], sizes = [1, 32], strides = [1, 1]} : vector<128x32xf32> to vector<1x32xf32>
    %add3A_571 = arith.addf %add3A_569, %slice3A_570 : vector<1x32xf32>
    %slice3A_572 = vector.extract_strided_slice %transpose3A_446 {offsets = [63, 0], sizes = [1, 32], strides = [1, 1]} : vector<128x32xf32> to vector<1x32xf32>
    %add3A_573 = arith.addf %add3A_571, %slice3A_572 : vector<1x32xf32>
    %slice3A_574 = vector.extract_strided_slice %transpose3A_446 {offsets = [64, 0], sizes = [1, 32], strides = [1, 1]} : vector<128x32xf32> to vector<1x32xf32>
    %add3A_575 = arith.addf %add3A_573, %slice3A_574 : vector<1x32xf32>
    %slice3A_576 = vector.extract_strided_slice %transpose3A_446 {offsets = [65, 0], sizes = [1, 32], strides = [1, 1]} : vector<128x32xf32> to vector<1x32xf32>
    %add3A_577 = arith.addf %add3A_575, %slice3A_576 : vector<1x32xf32>
    %slice3A_578 = vector.extract_strided_slice %transpose3A_446 {offsets = [66, 0], sizes = [1, 32], strides = [1, 1]} : vector<128x32xf32> to vector<1x32xf32>
    %add3A_579 = arith.addf %add3A_577, %slice3A_578 : vector<1x32xf32>
    %slice3A_580 = vector.extract_strided_slice %transpose3A_446 {offsets = [67, 0], sizes = [1, 32], strides = [1, 1]} : vector<128x32xf32> to vector<1x32xf32>
    %add3A_581 = arith.addf %add3A_579, %slice3A_580 : vector<1x32xf32>
    %slice3A_582 = vector.extract_strided_slice %transpose3A_446 {offsets = [68, 0], sizes = [1, 32], strides = [1, 1]} : vector<128x32xf32> to vector<1x32xf32>
    %add3A_583 = arith.addf %add3A_581, %slice3A_582 : vector<1x32xf32>
    %slice3A_584 = vector.extract_strided_slice %transpose3A_446 {offsets = [69, 0], sizes = [1, 32], strides = [1, 1]} : vector<128x32xf32> to vector<1x32xf32>
    %add3A_585 = arith.addf %add3A_583, %slice3A_584 : vector<1x32xf32>
    %slice3A_586 = vector.extract_strided_slice %transpose3A_446 {offsets = [70, 0], sizes = [1, 32], strides = [1, 1]} : vector<128x32xf32> to vector<1x32xf32>
    %add3A_587 = arith.addf %add3A_585, %slice3A_586 : vector<1x32xf32>
    %slice3A_588 = vector.extract_strided_slice %transpose3A_446 {offsets = [71, 0], sizes = [1, 32], strides = [1, 1]} : vector<128x32xf32> to vector<1x32xf32>
    %add3A_589 = arith.addf %add3A_587, %slice3A_588 : vector<1x32xf32>
    %slice3A_590 = vector.extract_strided_slice %transpose3A_446 {offsets = [72, 0], sizes = [1, 32], strides = [1, 1]} : vector<128x32xf32> to vector<1x32xf32>
    %add3A_591 = arith.addf %add3A_589, %slice3A_590 : vector<1x32xf32>
    %slice3A_592 = vector.extract_strided_slice %transpose3A_446 {offsets = [73, 0], sizes = [1, 32], strides = [1, 1]} : vector<128x32xf32> to vector<1x32xf32>
    %add3A_593 = arith.addf %add3A_591, %slice3A_592 : vector<1x32xf32>
    %slice3A_594 = vector.extract_strided_slice %transpose3A_446 {offsets = [74, 0], sizes = [1, 32], strides = [1, 1]} : vector<128x32xf32> to vector<1x32xf32>
    %add3A_595 = arith.addf %add3A_593, %slice3A_594 : vector<1x32xf32>
    %slice3A_596 = vector.extract_strided_slice %transpose3A_446 {offsets = [75, 0], sizes = [1, 32], strides = [1, 1]} : vector<128x32xf32> to vector<1x32xf32>
    %add3A_597 = arith.addf %add3A_595, %slice3A_596 : vector<1x32xf32>
    %slice3A_598 = vector.extract_strided_slice %transpose3A_446 {offsets = [76, 0], sizes = [1, 32], strides = [1, 1]} : vector<128x32xf32> to vector<1x32xf32>
    %add3A_599 = arith.addf %add3A_597, %slice3A_598 : vector<1x32xf32>
    %slice3A_600 = vector.extract_strided_slice %transpose3A_446 {offsets = [77, 0], sizes = [1, 32], strides = [1, 1]} : vector<128x32xf32> to vector<1x32xf32>
    %add3A_601 = arith.addf %add3A_599, %slice3A_600 : vector<1x32xf32>
    %slice3A_602 = vector.extract_strided_slice %transpose3A_446 {offsets = [78, 0], sizes = [1, 32], strides = [1, 1]} : vector<128x32xf32> to vector<1x32xf32>
    %add3A_603 = arith.addf %add3A_601, %slice3A_602 : vector<1x32xf32>
    %slice3A_604 = vector.extract_strided_slice %transpose3A_446 {offsets = [79, 0], sizes = [1, 32], strides = [1, 1]} : vector<128x32xf32> to vector<1x32xf32>
    %add3A_605 = arith.addf %add3A_603, %slice3A_604 : vector<1x32xf32>
    %slice3A_606 = vector.extract_strided_slice %transpose3A_446 {offsets = [80, 0], sizes = [1, 32], strides = [1, 1]} : vector<128x32xf32> to vector<1x32xf32>
    %add3A_607 = arith.addf %add3A_605, %slice3A_606 : vector<1x32xf32>
    %slice3A_608 = vector.extract_strided_slice %transpose3A_446 {offsets = [81, 0], sizes = [1, 32], strides = [1, 1]} : vector<128x32xf32> to vector<1x32xf32>
    %add3A_609 = arith.addf %add3A_607, %slice3A_608 : vector<1x32xf32>
    %slice3A_610 = vector.extract_strided_slice %transpose3A_446 {offsets = [82, 0], sizes = [1, 32], strides = [1, 1]} : vector<128x32xf32> to vector<1x32xf32>
    %add3A_611 = arith.addf %add3A_609, %slice3A_610 : vector<1x32xf32>
    %slice3A_612 = vector.extract_strided_slice %transpose3A_446 {offsets = [83, 0], sizes = [1, 32], strides = [1, 1]} : vector<128x32xf32> to vector<1x32xf32>
    %add3A_613 = arith.addf %add3A_611, %slice3A_612 : vector<1x32xf32>
    %slice3A_614 = vector.extract_strided_slice %transpose3A_446 {offsets = [84, 0], sizes = [1, 32], strides = [1, 1]} : vector<128x32xf32> to vector<1x32xf32>
    %add3A_615 = arith.addf %add3A_613, %slice3A_614 : vector<1x32xf32>
    %slice3A_616 = vector.extract_strided_slice %transpose3A_446 {offsets = [85, 0], sizes = [1, 32], strides = [1, 1]} : vector<128x32xf32> to vector<1x32xf32>
    %add3A_617 = arith.addf %add3A_615, %slice3A_616 : vector<1x32xf32>
    %slice3A_618 = vector.extract_strided_slice %transpose3A_446 {offsets = [86, 0], sizes = [1, 32], strides = [1, 1]} : vector<128x32xf32> to vector<1x32xf32>
    %add3A_619 = arith.addf %add3A_617, %slice3A_618 : vector<1x32xf32>
    %slice3A_620 = vector.extract_strided_slice %transpose3A_446 {offsets = [87, 0], sizes = [1, 32], strides = [1, 1]} : vector<128x32xf32> to vector<1x32xf32>
    %add3A_621 = arith.addf %add3A_619, %slice3A_620 : vector<1x32xf32>
    %slice3A_622 = vector.extract_strided_slice %transpose3A_446 {offsets = [88, 0], sizes = [1, 32], strides = [1, 1]} : vector<128x32xf32> to vector<1x32xf32>
    %add3A_623 = arith.addf %add3A_621, %slice3A_622 : vector<1x32xf32>
    %slice3A_624 = vector.extract_strided_slice %transpose3A_446 {offsets = [89, 0], sizes = [1, 32], strides = [1, 1]} : vector<128x32xf32> to vector<1x32xf32>
    %add3A_625 = arith.addf %add3A_623, %slice3A_624 : vector<1x32xf32>
    %slice3A_626 = vector.extract_strided_slice %transpose3A_446 {offsets = [90, 0], sizes = [1, 32], strides = [1, 1]} : vector<128x32xf32> to vector<1x32xf32>
    %add3A_627 = arith.addf %add3A_625, %slice3A_626 : vector<1x32xf32>
    %slice3A_628 = vector.extract_strided_slice %transpose3A_446 {offsets = [91, 0], sizes = [1, 32], strides = [1, 1]} : vector<128x32xf32> to vector<1x32xf32>
    %add3A_629 = arith.addf %add3A_627, %slice3A_628 : vector<1x32xf32>
    %slice3A_630 = vector.extract_strided_slice %transpose3A_446 {offsets = [92, 0], sizes = [1, 32], strides = [1, 1]} : vector<128x32xf32> to vector<1x32xf32>
    %add3A_631 = arith.addf %add3A_629, %slice3A_630 : vector<1x32xf32>
    %slice3A_632 = vector.extract_strided_slice %transpose3A_446 {offsets = [93, 0], sizes = [1, 32], strides = [1, 1]} : vector<128x32xf32> to vector<1x32xf32>
    %add3A_633 = arith.addf %add3A_631, %slice3A_632 : vector<1x32xf32>
    %slice3A_634 = vector.extract_strided_slice %transpose3A_446 {offsets = [94, 0], sizes = [1, 32], strides = [1, 1]} : vector<128x32xf32> to vector<1x32xf32>
    %add3A_635 = arith.addf %add3A_633, %slice3A_634 : vector<1x32xf32>
    %slice3A_636 = vector.extract_strided_slice %transpose3A_446 {offsets = [95, 0], sizes = [1, 32], strides = [1, 1]} : vector<128x32xf32> to vector<1x32xf32>
    %add3A_637 = arith.addf %add3A_635, %slice3A_636 : vector<1x32xf32>
    %slice3A_638 = vector.extract_strided_slice %transpose3A_446 {offsets = [96, 0], sizes = [1, 32], strides = [1, 1]} : vector<128x32xf32> to vector<1x32xf32>
    %add3A_639 = arith.addf %add3A_637, %slice3A_638 : vector<1x32xf32>
    %slice3A_640 = vector.extract_strided_slice %transpose3A_446 {offsets = [97, 0], sizes = [1, 32], strides = [1, 1]} : vector<128x32xf32> to vector<1x32xf32>
    %add3A_641 = arith.addf %add3A_639, %slice3A_640 : vector<1x32xf32>
    %slice3A_642 = vector.extract_strided_slice %transpose3A_446 {offsets = [98, 0], sizes = [1, 32], strides = [1, 1]} : vector<128x32xf32> to vector<1x32xf32>
    %add3A_643 = arith.addf %add3A_641, %slice3A_642 : vector<1x32xf32>
    %slice3A_644 = vector.extract_strided_slice %transpose3A_446 {offsets = [99, 0], sizes = [1, 32], strides = [1, 1]} : vector<128x32xf32> to vector<1x32xf32>
    %add3A_645 = arith.addf %add3A_643, %slice3A_644 : vector<1x32xf32>
    %slice3A_646 = vector.extract_strided_slice %transpose3A_446 {offsets = [100, 0], sizes = [1, 32], strides = [1, 1]} : vector<128x32xf32> to vector<1x32xf32>
    %add3A_647 = arith.addf %add3A_645, %slice3A_646 : vector<1x32xf32>
    %slice3A_648 = vector.extract_strided_slice %transpose3A_446 {offsets = [101, 0], sizes = [1, 32], strides = [1, 1]} : vector<128x32xf32> to vector<1x32xf32>
    %add3A_649 = arith.addf %add3A_647, %slice3A_648 : vector<1x32xf32>
    %slice3A_650 = vector.extract_strided_slice %transpose3A_446 {offsets = [102, 0], sizes = [1, 32], strides = [1, 1]} : vector<128x32xf32> to vector<1x32xf32>
    %add3A_651 = arith.addf %add3A_649, %slice3A_650 : vector<1x32xf32>
    %slice3A_652 = vector.extract_strided_slice %transpose3A_446 {offsets = [103, 0], sizes = [1, 32], strides = [1, 1]} : vector<128x32xf32> to vector<1x32xf32>
    %add3A_653 = arith.addf %add3A_651, %slice3A_652 : vector<1x32xf32>
    %slice3A_654 = vector.extract_strided_slice %transpose3A_446 {offsets = [104, 0], sizes = [1, 32], strides = [1, 1]} : vector<128x32xf32> to vector<1x32xf32>
    %add3A_655 = arith.addf %add3A_653, %slice3A_654 : vector<1x32xf32>
    %slice3A_656 = vector.extract_strided_slice %transpose3A_446 {offsets = [105, 0], sizes = [1, 32], strides = [1, 1]} : vector<128x32xf32> to vector<1x32xf32>
    %add3A_657 = arith.addf %add3A_655, %slice3A_656 : vector<1x32xf32>
    %slice3A_658 = vector.extract_strided_slice %transpose3A_446 {offsets = [106, 0], sizes = [1, 32], strides = [1, 1]} : vector<128x32xf32> to vector<1x32xf32>
    %add3A_659 = arith.addf %add3A_657, %slice3A_658 : vector<1x32xf32>
    %slice3A_660 = vector.extract_strided_slice %transpose3A_446 {offsets = [107, 0], sizes = [1, 32], strides = [1, 1]} : vector<128x32xf32> to vector<1x32xf32>
    %add3A_661 = arith.addf %add3A_659, %slice3A_660 : vector<1x32xf32>
    %slice3A_662 = vector.extract_strided_slice %transpose3A_446 {offsets = [108, 0], sizes = [1, 32], strides = [1, 1]} : vector<128x32xf32> to vector<1x32xf32>
    %add3A_663 = arith.addf %add3A_661, %slice3A_662 : vector<1x32xf32>
    %slice3A_664 = vector.extract_strided_slice %transpose3A_446 {offsets = [109, 0], sizes = [1, 32], strides = [1, 1]} : vector<128x32xf32> to vector<1x32xf32>
    %add3A_665 = arith.addf %add3A_663, %slice3A_664 : vector<1x32xf32>
    %slice3A_666 = vector.extract_strided_slice %transpose3A_446 {offsets = [110, 0], sizes = [1, 32], strides = [1, 1]} : vector<128x32xf32> to vector<1x32xf32>
    %add3A_667 = arith.addf %add3A_665, %slice3A_666 : vector<1x32xf32>
    %slice3A_668 = vector.extract_strided_slice %transpose3A_446 {offsets = [111, 0], sizes = [1, 32], strides = [1, 1]} : vector<128x32xf32> to vector<1x32xf32>
    %add3A_669 = arith.addf %add3A_667, %slice3A_668 : vector<1x32xf32>
    %slice3A_670 = vector.extract_strided_slice %transpose3A_446 {offsets = [112, 0], sizes = [1, 32], strides = [1, 1]} : vector<128x32xf32> to vector<1x32xf32>
    %add3A_671 = arith.addf %add3A_669, %slice3A_670 : vector<1x32xf32>
    %slice3A_672 = vector.extract_strided_slice %transpose3A_446 {offsets = [113, 0], sizes = [1, 32], strides = [1, 1]} : vector<128x32xf32> to vector<1x32xf32>
    %add3A_673 = arith.addf %add3A_671, %slice3A_672 : vector<1x32xf32>
    %slice3A_674 = vector.extract_strided_slice %transpose3A_446 {offsets = [114, 0], sizes = [1, 32], strides = [1, 1]} : vector<128x32xf32> to vector<1x32xf32>
    %add3A_675 = arith.addf %add3A_673, %slice3A_674 : vector<1x32xf32>
    %slice3A_676 = vector.extract_strided_slice %transpose3A_446 {offsets = [115, 0], sizes = [1, 32], strides = [1, 1]} : vector<128x32xf32> to vector<1x32xf32>
    %add3A_677 = arith.addf %add3A_675, %slice3A_676 : vector<1x32xf32>
    %slice3A_678 = vector.extract_strided_slice %transpose3A_446 {offsets = [116, 0], sizes = [1, 32], strides = [1, 1]} : vector<128x32xf32> to vector<1x32xf32>
    %add3A_679 = arith.addf %add3A_677, %slice3A_678 : vector<1x32xf32>
    %slice3A_680 = vector.extract_strided_slice %transpose3A_446 {offsets = [117, 0], sizes = [1, 32], strides = [1, 1]} : vector<128x32xf32> to vector<1x32xf32>
    %add3A_681 = arith.addf %add3A_679, %slice3A_680 : vector<1x32xf32>
    %slice3A_682 = vector.extract_strided_slice %transpose3A_446 {offsets = [118, 0], sizes = [1, 32], strides = [1, 1]} : vector<128x32xf32> to vector<1x32xf32>
    %add3A_683 = arith.addf %add3A_681, %slice3A_682 : vector<1x32xf32>
    %slice3A_684 = vector.extract_strided_slice %transpose3A_446 {offsets = [119, 0], sizes = [1, 32], strides = [1, 1]} : vector<128x32xf32> to vector<1x32xf32>
    %add3A_685 = arith.addf %add3A_683, %slice3A_684 : vector<1x32xf32>
    %slice3A_686 = vector.extract_strided_slice %transpose3A_446 {offsets = [120, 0], sizes = [1, 32], strides = [1, 1]} : vector<128x32xf32> to vector<1x32xf32>
    %add3A_687 = arith.addf %add3A_685, %slice3A_686 : vector<1x32xf32>
    %slice3A_688 = vector.extract_strided_slice %transpose3A_446 {offsets = [121, 0], sizes = [1, 32], strides = [1, 1]} : vector<128x32xf32> to vector<1x32xf32>
    %add3A_689 = arith.addf %add3A_687, %slice3A_688 : vector<1x32xf32>
    %slice3A_690 = vector.extract_strided_slice %transpose3A_446 {offsets = [122, 0], sizes = [1, 32], strides = [1, 1]} : vector<128x32xf32> to vector<1x32xf32>
    %add3A_691 = arith.addf %add3A_689, %slice3A_690 : vector<1x32xf32>
    %slice3A_692 = vector.extract_strided_slice %transpose3A_446 {offsets = [123, 0], sizes = [1, 32], strides = [1, 1]} : vector<128x32xf32> to vector<1x32xf32>
    %add3A_693 = arith.addf %add3A_691, %slice3A_692 : vector<1x32xf32>
    %slice3A_694 = vector.extract_strided_slice %transpose3A_446 {offsets = [124, 0], sizes = [1, 32], strides = [1, 1]} : vector<128x32xf32> to vector<1x32xf32>
    %add3A_695 = arith.addf %add3A_693, %slice3A_694 : vector<1x32xf32>
    %slice3A_696 = vector.extract_strided_slice %transpose3A_446 {offsets = [125, 0], sizes = [1, 32], strides = [1, 1]} : vector<128x32xf32> to vector<1x32xf32>
    %add3A_697 = arith.addf %add3A_695, %slice3A_696 : vector<1x32xf32>
    %slice3A_698 = vector.extract_strided_slice %transpose3A_446 {offsets = [126, 0], sizes = [1, 32], strides = [1, 1]} : vector<128x32xf32> to vector<1x32xf32>
    %add3A_699 = arith.addf %add3A_697, %slice3A_698 : vector<1x32xf32>
    %slice3A_700 = vector.extract_strided_slice %transpose3A_446 {offsets = [127, 0], sizes = [1, 32], strides = [1, 1]} : vector<128x32xf32> to vector<1x32xf32>
    %add3A_701 = arith.addf %add3A_699, %slice3A_700 : vector<1x32xf32>
    %concatenate3A_702 = tpu.concatenate %slice3A_447, %add3A_449, %add3A_451, %add3A_453, %add3A_455, %add3A_457, %add3A_459, %add3A_461, %add3A_463, %add3A_465, %add3A_467, %add3A_469, %add3A_471, %add3A_473, %add3A_475, %add3A_477, %add3A_479, %add3A_481, %add3A_483, %add3A_485, %add3A_487, %add3A_489, %add3A_491, %add3A_493, %add3A_495, %add3A_497, %add3A_499, %add3A_501, %add3A_503, %add3A_505, %add3A_507, %add3A_509, %add3A_511, %add3A_513, %add3A_515, %add3A_517, %add3A_519, %add3A_521, %add3A_523, %add3A_525, %add3A_527, %add3A_529, %add3A_531, %add3A_533, %add3A_535, %add3A_537, %add3A_539, %add3A_541, %add3A_543, %add3A_545, %add3A_547, %add3A_549, %add3A_551, %add3A_553, %add3A_555, %add3A_557, %add3A_559, %add3A_561, %add3A_563, %add3A_565, %add3A_567, %add3A_569, %add3A_571, %add3A_573, %add3A_575, %add3A_577, %add3A_579, %add3A_581, %add3A_583, %add3A_585, %add3A_587, %add3A_589, %add3A_591, %add3A_593, %add3A_595, %add3A_597, %add3A_599, %add3A_601, %add3A_603, %add3A_605, %add3A_607, %add3A_609, %add3A_611, %add3A_613, %add3A_615, %add3A_617, %add3A_619, %add3A_621, %add3A_623, %add3A_625, %add3A_627, %add3A_629, %add3A_631, %add3A_633, %add3A_635, %add3A_637, %add3A_639, %add3A_641, %add3A_643, %add3A_645, %add3A_647, %add3A_649, %add3A_651, %add3A_653, %add3A_655, %add3A_657, %add3A_659, %add3A_661, %add3A_663, %add3A_665, %add3A_667, %add3A_669, %add3A_671, %add3A_673, %add3A_675, %add3A_677, %add3A_679, %add3A_681, %add3A_683, %add3A_685, %add3A_687, %add3A_689, %add3A_691, %add3A_693, %add3A_695, %add3A_697, %add3A_699, %add3A_701 in 0 : vector<1x32xf32>, vector<1x32xf32>, vector<1x32xf32>, vector<1x32xf32>, vector<1x32xf32>, vector<1x32xf32>, vector<1x32xf32>, vector<1x32xf32>, vector<1x32xf32>, vector<1x32xf32>, vector<1x32xf32>, vector<1x32xf32>, vector<1x32xf32>, vector<1x32xf32>, vector<1x32xf32>, vector<1x32xf32>, vector<1x32xf32>, vector<1x32xf32>, vector<1x32xf32>, vector<1x32xf32>, vector<1x32xf32>, vector<1x32xf32>, vector<1x32xf32>, vector<1x32xf32>, vector<1x32xf32>, vector<1x32xf32>, vector<1x32xf32>, vector<1x32xf32>, vector<1x32xf32>, vector<1x32xf32>, vector<1x32xf32>, vector<1x32xf32>, vector<1x32xf32>, vector<1x32xf32>, vector<1x32xf32>, vector<1x32xf32>, vector<1x32xf32>, vector<1x32xf32>, vector<1x32xf32>, vector<1x32xf32>, vector<1x32xf32>, vector<1x32xf32>, vector<1x32xf32>, vector<1x32xf32>, vector<1x32xf32>, vector<1x32xf32>, vector<1x32xf32>, vector<1x32xf32>, vector<1x32xf32>, vector<1x32xf32>, vector<1x32xf32>, vector<1x32xf32>, vector<1x32xf32>, vector<1x32xf32>, vector<1x32xf32>, vector<1x32xf32>, vector<1x32xf32>, vector<1x32xf32>, vector<1x32xf32>, vector<1x32xf32>, vector<1x32xf32>, vector<1x32xf32>, vector<1x32xf32>, vector<1x32xf32>, vector<1x32xf32>, vector<1x32xf32>, vector<1x32xf32>, vector<1x32xf32>, vector<1x32xf32>, vector<1x32xf32>, vector<1x32xf32>, vector<1x32xf32>, vector<1x32xf32>, vector<1x32xf32>, vector<1x32xf32>, vector<1x32xf32>, vector<1x32xf32>, vector<1x32xf32>, vector<1x32xf32>, vector<1x32xf32>, vector<1x32xf32>, vector<1x32xf32>, vector<1x32xf32>, vector<1x32xf32>, vector<1x32xf32>, vector<1x32xf32>, vector<1x32xf32>, vector<1x32xf32>, vector<1x32xf32>, vector<1x32xf32>, vector<1x32xf32>, vector<1x32xf32>, vector<1x32xf32>, vector<1x32xf32>, vector<1x32xf32>, vector<1x32xf32>, vector<1x32xf32>, vector<1x32xf32>, vector<1x32xf32>, vector<1x32xf32>, vector<1x32xf32>, vector<1x32xf32>, vector<1x32xf32>, vector<1x32xf32>, vector<1x32xf32>, vector<1x32xf32>, vector<1x32xf32>, vector<1x32xf32>, vector<1x32xf32>, vector<1x32xf32>, vector<1x32xf32>, vector<1x32xf32>, vector<1x32xf32>, vector<1x32xf32>, vector<1x32xf32>, vector<1x32xf32>, vector<1x32xf32>, vector<1x32xf32>, vector<1x32xf32>, vector<1x32xf32>, vector<1x32xf32>, vector<1x32xf32>, vector<1x32xf32>, vector<1x32xf32>, vector<1x32xf32>, vector<1x32xf32>, vector<1x32xf32>, vector<1x32xf32> -> vector<128x32xf32>
    %transpose3A_703 = tpu.transpose %concatenate3A_702, [1, 0] : vector<128x32xf32> -> vector<32x128xf32>
    %get3A_704 = arith.constant 0 : index
    %get3A_705 = arith.constant 4 : index
    %get3A_706 = vector.load %arg8[%get3A_704, %get3A_705] : memref<32x128xf32, #tpu.memory_space<vmem>>, vector<32x1xf32>
    %add3A_707 = vector.broadcast %get3A_706 : vector<32x1xf32> to vector<32x128xf32>
    %add3A_708 = arith.addf %transpose3A_703, %add3A_707 : vector<32x128xf32>
    %get3A_709 = arith.constant 0 : index
    %get3A_710 = arith.constant 0 : index
    %get3A_711 = vector.load %arg9[%get3A_709, %get3A_710] : memref<32x128xi32, #tpu.memory_space<vmem>>, vector<32x1xi32>
    %lt3A_712 = vector.broadcast %get3A_9 : vector<32x1xf32> to vector<32x128xf32>
    %lt3A_713 = arith.cmpf olt, %add3A_708, %lt3A_712 : vector<32x128xf32>
    %convert_element_type3A_714 = arith.extui %lt3A_713 : vector<32x128xi1> to vector<32x128xi32>
    %reduce_sum3A_715 = arith.constant dense<0> : vector<32xi32>
    %reduce_sum3A_716 = vector.multi_reduction <add>, %convert_element_type3A_714, %reduce_sum3A_715 [1] : vector<32x128xi32> to vector<32xi32>
    %broadcast_in_dim3A_717 = vector.shape_cast %reduce_sum3A_716 : vector<32xi32> to vector<32x1xi32>
    %eq3A_718 = arith.constant 0 : i32
    %eq3A_719 = vector.broadcast %eq3A_718 : i32 to vector<32x1xi32>
    %eq3A_720 = arith.cmpi eq, %get3A_711, %eq3A_719 : vector<32x1xi32>
    %lt3A_721 = arith.constant 128 : i32
    %lt3A_722 = vector.broadcast %lt3A_721 : i32 to vector<32x1xi32>
    %lt3A_723 = arith.cmpi slt, %broadcast_in_dim3A_717, %lt3A_722 : vector<32x1xi32>
    %and3A_724 = arith.andi %eq3A_720, %lt3A_723 : vector<32x1xi1>
    %get3A_725 = arith.constant 0 : index
    %get3A_726 = arith.constant 1 : index
    %get3A_727 = vector.load %arg8[%get3A_725, %get3A_726] : memref<32x128xf32, #tpu.memory_space<vmem>>, vector<32x3xf32>
    %broadcast_in_dim3A_728 = arith.constant 0.000000e+00 : f32
    %broadcast_in_dim3A_729 = vector.broadcast %broadcast_in_dim3A_728 : f32 to vector<32x125xf32>
    %concatenate3A_730 = tpu.concatenate %get3A_727, %add3A_708, %broadcast_in_dim3A_729 in 1 : vector<32x3xf32>, vector<32x128xf32>, vector<32x125xf32> -> vector<32x256xf32>
    %iota3A_731 = tpu.iota {dimensions = array<i32: 1>} : vector<32x256xi32>
    %mul3A_732 = arith.constant 256 : i32
    %mul3A_733 = arith.muli %arg0, %mul3A_732 : i32
    %add3A_734 = arith.constant 128 : i32
    %add3A_735 = arith.addi %mul3A_733, %add3A_734 : i32
    %add3A_736 = vector.broadcast %add3A_735 : i32 to vector<32x1xi32>
    %add3A_737 = arith.addi %add3A_736, %broadcast_in_dim3A_717 : vector<32x1xi32>
    %sub3A_738 = arith.constant 2 : i32
    %sub3A_739 = vector.broadcast %sub3A_738 : i32 to vector<32x1xi32>
    %sub3A_740 = arith.subi %add3A_737, %sub3A_739 : vector<32x1xi32>
    %max3A_741 = arith.constant 0 : i32
    %max3A_742 = vector.broadcast %max3A_741 : i32 to vector<32x1xi32>
    %max3A_743 = arith.maxsi %sub3A_740, %max3A_742 : vector<32x1xi32>
    %sub3A_744 = vector.broadcast %add3A_735 : i32 to vector<32x1xi32>
    %sub3A_745 = arith.subi %max3A_743, %sub3A_744 : vector<32x1xi32>
    %add3A_746 = arith.constant 2 : i32
    %add3A_747 = vector.broadcast %add3A_746 : i32 to vector<32x1xi32>
    %add3A_748 = arith.addi %sub3A_745, %add3A_747 : vector<32x1xi32>
    %add3A_749 = arith.constant 0 : i32
    %add3A_750 = vector.broadcast %add3A_749 : i32 to vector<32x1xi32>
    %add3A_751 = arith.addi %add3A_748, %add3A_750 : vector<32x1xi32>
    %eq3A_752 = vector.broadcast %add3A_751 : vector<32x1xi32> to vector<32x256xi32>
    %eq3A_753 = arith.cmpi eq, %iota3A_731, %eq3A_752 : vector<32x256xi32>
    %convert_element_type3A_754 = arith.extui %eq3A_753 : vector<32x256xi1> to vector<32x256xi32>
    %convert_element_type3A_755 = arith.sitofp %convert_element_type3A_754 : vector<32x256xi32> to vector<32x256xf32>
    %mul3A_756 = arith.mulf %concatenate3A_730, %convert_element_type3A_755 : vector<32x256xf32>
    %reduce_sum3A_757 = arith.constant dense<0.000000e+00> : vector<32xf32>
    %reduce_sum3A_758 = vector.multi_reduction <add>, %mul3A_756, %reduce_sum3A_757 [1] : vector<32x256xf32> to vector<32xf32>
    %broadcast_in_dim3A_759 = vector.shape_cast %reduce_sum3A_758 : vector<32xf32> to vector<32x1xf32>
    %get3A_760 = arith.constant 0 : index
    %get3A_761 = arith.constant 8 : index
    %get3A_762 = vector.load %arg8[%get3A_760, %get3A_761] : memref<32x128xf32, #tpu.memory_space<vmem>>, vector<32x1xf32>
    %select_n3A_763 = arith.select %and3A_724, %broadcast_in_dim3A_759, %get3A_762 : vector<32x1xi1>, vector<32x1xf32>
    %swap3A_764 = arith.constant 0 : index
    %swap3A_765 = arith.constant 8 : index
    %swap3A_766 = vector.load %arg8[%swap3A_764, %swap3A_765] : memref<32x128xf32, #tpu.memory_space<vmem>>, vector<32x1xf32>
    tpu.vector_store %arg8[%swap3A_764, %swap3A_765], %select_n3A_763 {strides = array<i32>} : memref<32x128xf32, #tpu.memory_space<vmem>>, vector<32x1xf32>,
    %add3A_767 = arith.constant 2 : i32
    %add3A_768 = vector.broadcast %add3A_767 : i32 to vector<32x1xi32>
    %add3A_769 = arith.addi %sub3A_745, %add3A_768 : vector<32x1xi32>
    %add3A_770 = arith.constant 1 : i32
    %add3A_771 = vector.broadcast %add3A_770 : i32 to vector<32x1xi32>
    %add3A_772 = arith.addi %add3A_769, %add3A_771 : vector<32x1xi32>
    %eq3A_773 = vector.broadcast %add3A_772 : vector<32x1xi32> to vector<32x256xi32>
    %eq3A_774 = arith.cmpi eq, %iota3A_731, %eq3A_773 : vector<32x256xi32>
    %convert_element_type3A_775 = arith.extui %eq3A_774 : vector<32x256xi1> to vector<32x256xi32>
    %convert_element_type3A_776 = arith.sitofp %convert_element_type3A_775 : vector<32x256xi32> to vector<32x256xf32>
    %mul3A_777 = arith.mulf %concatenate3A_730, %convert_element_type3A_776 : vector<32x256xf32>
    %reduce_sum3A_778 = arith.constant dense<0.000000e+00> : vector<32xf32>
    %reduce_sum3A_779 = vector.multi_reduction <add>, %mul3A_777, %reduce_sum3A_778 [1] : vector<32x256xf32> to vector<32xf32>
    %broadcast_in_dim3A_780 = vector.shape_cast %reduce_sum3A_779 : vector<32xf32> to vector<32x1xf32>
    %get3A_781 = arith.constant 0 : index
    %get3A_782 = arith.constant 9 : index
    %get3A_783 = vector.load %arg8[%get3A_781, %get3A_782] : memref<32x128xf32, #tpu.memory_space<vmem>>, vector<32x1xf32>
    %select_n3A_784 = arith.select %and3A_724, %broadcast_in_dim3A_780, %get3A_783 : vector<32x1xi1>, vector<32x1xf32>
    %swap3A_785 = arith.constant 0 : index
    %swap3A_786 = arith.constant 9 : index
    %swap3A_787 = vector.load %arg8[%swap3A_785, %swap3A_786] : memref<32x128xf32, #tpu.memory_space<vmem>>, vector<32x1xf32>
    tpu.vector_store %arg8[%swap3A_785, %swap3A_786], %select_n3A_784 {strides = array<i32>} : memref<32x128xf32, #tpu.memory_space<vmem>>, vector<32x1xf32>,
    %add3A_788 = arith.constant 2 : i32
    %add3A_789 = vector.broadcast %add3A_788 : i32 to vector<32x1xi32>
    %add3A_790 = arith.addi %sub3A_745, %add3A_789 : vector<32x1xi32>
    %add3A_791 = arith.constant 2 : i32
    %add3A_792 = vector.broadcast %add3A_791 : i32 to vector<32x1xi32>
    %add3A_793 = arith.addi %add3A_790, %add3A_792 : vector<32x1xi32>
    %eq3A_794 = vector.broadcast %add3A_793 : vector<32x1xi32> to vector<32x256xi32>
    %eq3A_795 = arith.cmpi eq, %iota3A_731, %eq3A_794 : vector<32x256xi32>
    %convert_element_type3A_796 = arith.extui %eq3A_795 : vector<32x256xi1> to vector<32x256xi32>
    %convert_element_type3A_797 = arith.sitofp %convert_element_type3A_796 : vector<32x256xi32> to vector<32x256xf32>
    %mul3A_798 = arith.mulf %concatenate3A_730, %convert_element_type3A_797 : vector<32x256xf32>
    %reduce_sum3A_799 = arith.constant dense<0.000000e+00> : vector<32xf32>
    %reduce_sum3A_800 = vector.multi_reduction <add>, %mul3A_798, %reduce_sum3A_799 [1] : vector<32x256xf32> to vector<32xf32>
    %broadcast_in_dim3A_801 = vector.shape_cast %reduce_sum3A_800 : vector<32xf32> to vector<32x1xf32>
    %get3A_802 = arith.constant 0 : index
    %get3A_803 = arith.constant 10 : index
    %get3A_804 = vector.load %arg8[%get3A_802, %get3A_803] : memref<32x128xf32, #tpu.memory_space<vmem>>, vector<32x1xf32>
    %select_n3A_805 = arith.select %and3A_724, %broadcast_in_dim3A_801, %get3A_804 : vector<32x1xi1>, vector<32x1xf32>
    %swap3A_806 = arith.constant 0 : index
    %swap3A_807 = arith.constant 10 : index
    %swap3A_808 = vector.load %arg8[%swap3A_806, %swap3A_807] : memref<32x128xf32, #tpu.memory_space<vmem>>, vector<32x1xf32>
    tpu.vector_store %arg8[%swap3A_806, %swap3A_807], %select_n3A_805 {strides = array<i32>} : memref<32x128xf32, #tpu.memory_space<vmem>>, vector<32x1xf32>,
    %add3A_809 = arith.constant 2 : i32
    %add3A_810 = vector.broadcast %add3A_809 : i32 to vector<32x1xi32>
    %add3A_811 = arith.addi %sub3A_745, %add3A_810 : vector<32x1xi32>
    %add3A_812 = arith.constant 3 : i32
    %add3A_813 = vector.broadcast %add3A_812 : i32 to vector<32x1xi32>
    %add3A_814 = arith.addi %add3A_811, %add3A_813 : vector<32x1xi32>
    %eq3A_815 = vector.broadcast %add3A_814 : vector<32x1xi32> to vector<32x256xi32>
    %eq3A_816 = arith.cmpi eq, %iota3A_731, %eq3A_815 : vector<32x256xi32>
    %convert_element_type3A_817 = arith.extui %eq3A_816 : vector<32x256xi1> to vector<32x256xi32>
    %convert_element_type3A_818 = arith.sitofp %convert_element_type3A_817 : vector<32x256xi32> to vector<32x256xf32>
    %mul3A_819 = arith.mulf %concatenate3A_730, %convert_element_type3A_818 : vector<32x256xf32>
    %reduce_sum3A_820 = arith.constant dense<0.000000e+00> : vector<32xf32>
    %reduce_sum3A_821 = vector.multi_reduction <add>, %mul3A_819, %reduce_sum3A_820 [1] : vector<32x256xf32> to vector<32xf32>
    %broadcast_in_dim3A_822 = vector.shape_cast %reduce_sum3A_821 : vector<32xf32> to vector<32x1xf32>
    %get3A_823 = arith.constant 0 : index
    %get3A_824 = arith.constant 11 : index
    %get3A_825 = vector.load %arg8[%get3A_823, %get3A_824] : memref<32x128xf32, #tpu.memory_space<vmem>>, vector<32x1xf32>
    %select_n3A_826 = arith.select %and3A_724, %broadcast_in_dim3A_822, %get3A_825 : vector<32x1xi1>, vector<32x1xf32>
    %swap3A_827 = arith.constant 0 : index
    %swap3A_828 = arith.constant 11 : index
    %swap3A_829 = vector.load %arg8[%swap3A_827, %swap3A_828] : memref<32x128xf32, #tpu.memory_space<vmem>>, vector<32x1xf32>
    tpu.vector_store %arg8[%swap3A_827, %swap3A_828], %select_n3A_826 {strides = array<i32>} : memref<32x128xf32, #tpu.memory_space<vmem>>, vector<32x1xf32>,
    %get3A_830 = arith.constant 0 : index
    %get3A_831 = arith.constant 1 : index
    %get3A_832 = vector.load %arg9[%get3A_830, %get3A_831] : memref<32x128xi32, #tpu.memory_space<vmem>>, vector<32x1xi32>
    %select_n3A_833 = arith.select %and3A_724, %max3A_743, %get3A_832 : vector<32x1xi1>, vector<32x1xi32>
    %swap3A_834 = arith.constant 0 : index
    %swap3A_835 = arith.constant 1 : index
    %swap3A_836 = vector.load %arg9[%swap3A_834, %swap3A_835] : memref<32x128xi32, #tpu.memory_space<vmem>>, vector<32x1xi32>
    tpu.vector_store %arg9[%swap3A_834, %swap3A_835], %select_n3A_833 {strides = array<i32>} : memref<32x128xi32, #tpu.memory_space<vmem>>, vector<32x1xi32>,
    %jit3A_837 = arith.constant 1 : i32
    %broadcast_in_dim3A_838 = vector.broadcast %jit3A_837 : i32 to vector<32x1xi32>
    %select_n3A_839 = arith.select %and3A_724, %broadcast_in_dim3A_838, %get3A_711 : vector<32x1xi1>, vector<32x1xi32>
    %swap3A_840 = arith.constant 0 : index
    %swap3A_841 = arith.constant 0 : index
    %swap3A_842 = vector.load %arg9[%swap3A_840, %swap3A_841] : memref<32x128xi32, #tpu.memory_space<vmem>>, vector<32x1xi32>
    tpu.vector_store %arg9[%swap3A_840, %swap3A_841], %select_n3A_839 {strides = array<i32>} : memref<32x128xi32, #tpu.memory_space<vmem>>, vector<32x1xi32>,
    %slice3A_843 = vector.extract_strided_slice %add3A_708 {offsets = [0, 125], sizes = [32, 3], strides = [1, 1]} : vector<32x128xf32> to vector<32x3xf32>
    %swap3A_844 = arith.constant 0 : index
    %swap3A_845 = arith.constant 1 : index
    %swap3A_846 = vector.load %arg8[%swap3A_844, %swap3A_845] : memref<32x128xf32, #tpu.memory_space<vmem>>, vector<32x3xf32>
    tpu.vector_store %arg8[%swap3A_844, %swap3A_845], %slice3A_843 {strides = array<i32>} : memref<32x128xf32, #tpu.memory_space<vmem>>, vector<32x3xf32>,
    %slice3A_847 = vector.extract_strided_slice %transpose3A_703 {offsets = [0, 127], sizes = [32, 1], strides = [1, 1]} : vector<32x128xf32> to vector<32x1xf32>
    %add3A_848 = arith.addf %get3A_706, %slice3A_847 : vector<32x1xf32>
    %swap3A_849 = arith.constant 0 : index
    %swap3A_850 = arith.constant 4 : index
    %swap3A_851 = vector.load %arg8[%swap3A_849, %swap3A_850] : memref<32x128xf32, #tpu.memory_space<vmem>>, vector<32x1xf32>
    tpu.vector_store %arg8[%swap3A_849, %swap3A_850], %add3A_848 {strides = array<i32>} : memref<32x128xf32, #tpu.memory_space<vmem>>, vector<32x1xf32>,
    %eq3A_852 = arith.constant 30 : i32
    %eq3A_853 = arith.cmpi eq, %arg0, %eq3A_852 : i32
    %convert_element_type3A_854 = arith.extui %eq3A_853 : i1 to i32
    %cond3A_855 = arith.constant 0 : i32
    %cond3A_856 = arith.cmpi ne, %convert_element_type3A_854, %cond3A_855 : i32
    scf.if %cond3A_856 {
      %get3A_857 = arith.constant 0 : index
      %get3A_858 = arith.constant 0 : index
      %get3A_859 = vector.load %arg9[%get3A_857, %get3A_858] : memref<32x128xi32, #tpu.memory_space<vmem>>, vector<32x1xi32>
      %eq3A_860 = arith.constant 0 : i32
      %eq3A_861 = vector.broadcast %eq3A_860 : i32 to vector<32x1xi32>
      %eq3A_862 = arith.cmpi eq, %get3A_859, %eq3A_861 : vector<32x1xi32>
      %get3A_863 = arith.constant 0 : index
      %get3A_864 = arith.constant 1 : index
      %get3A_865 = vector.load %arg9[%get3A_863, %get3A_864] : memref<32x128xi32, #tpu.memory_space<vmem>>, vector<32x1xi32>
      %jit3A_866 = arith.constant 7810 : i32
      %broadcast_in_dim3A_867 = vector.broadcast %jit3A_866 : i32 to vector<32x1xi32>
      %select_n3A_868 = arith.select %eq3A_862, %broadcast_in_dim3A_867, %get3A_865 : vector<32x1xi1>, vector<32x1xi32>
      %swap3A_869 = arith.constant 0 : index
      %swap3A_870 = arith.constant 1 : index
      %swap3A_871 = vector.load %arg9[%swap3A_869, %swap3A_870] : memref<32x128xi32, #tpu.memory_space<vmem>>, vector<32x1xi32>
      tpu.vector_store %arg9[%swap3A_869, %swap3A_870], %select_n3A_868 {strides = array<i32>} : memref<32x128xi32, #tpu.memory_space<vmem>>, vector<32x1xi32>,
      %eq3A_872 = arith.constant 0 : i32
      %eq3A_873 = vector.broadcast %eq3A_872 : i32 to vector<32x1xi32>
      %eq3A_874 = arith.cmpi eq, %get3A_859, %eq3A_873 : vector<32x1xi32>
      %slice3A_875 = vector.extract_strided_slice %add3A_708 {offsets = [0, 1], sizes = [32, 1], strides = [1, 1]} : vector<32x128xf32> to vector<32x1xf32>
      %get3A_876 = arith.constant 0 : index
      %get3A_877 = arith.constant 8 : index
      %get3A_878 = vector.load %arg8[%get3A_876, %get3A_877] : memref<32x128xf32, #tpu.memory_space<vmem>>, vector<32x1xf32>
      %select_n3A_879 = arith.select %eq3A_874, %slice3A_875, %get3A_878 : vector<32x1xi1>, vector<32x1xf32>
      %swap3A_880 = arith.constant 0 : index
      %swap3A_881 = arith.constant 8 : index
      %swap3A_882 = vector.load %arg8[%swap3A_880, %swap3A_881] : memref<32x128xf32, #tpu.memory_space<vmem>>, vector<32x1xf32>
      tpu.vector_store %arg8[%swap3A_880, %swap3A_881], %select_n3A_879 {strides = array<i32>} : memref<32x128xf32, #tpu.memory_space<vmem>>, vector<32x1xf32>,
      %eq3A_883 = arith.constant 0 : i32
      %eq3A_884 = vector.broadcast %eq3A_883 : i32 to vector<32x1xi32>
      %eq3A_885 = arith.cmpi eq, %get3A_859, %eq3A_884 : vector<32x1xi32>
      %slice3A_886 = vector.extract_strided_slice %add3A_708 {offsets = [0, 2], sizes = [32, 1], strides = [1, 1]} : vector<32x128xf32> to vector<32x1xf32>
      %get3A_887 = arith.constant 0 : index
      %get3A_888 = arith.constant 9 : index
      %get3A_889 = vector.load %arg8[%get3A_887, %get3A_888] : memref<32x128xf32, #tpu.memory_space<vmem>>, vector<32x1xf32>
      %select_n3A_890 = arith.select %eq3A_885, %slice3A_886, %get3A_889 : vector<32x1xi1>, vector<32x1xf32>
      %swap3A_891 = arith.constant 0 : index
      %swap3A_892 = arith.constant 9 : index
      %swap3A_893 = vector.load %arg8[%swap3A_891, %swap3A_892] : memref<32x128xf32, #tpu.memory_space<vmem>>, vector<32x1xf32>
      tpu.vector_store %arg8[%swap3A_891, %swap3A_892], %select_n3A_890 {strides = array<i32>} : memref<32x128xf32, #tpu.memory_space<vmem>>, vector<32x1xf32>,
      %eq3A_894 = arith.constant 0 : i32
      %eq3A_895 = vector.broadcast %eq3A_894 : i32 to vector<32x1xi32>
      %eq3A_896 = arith.cmpi eq, %get3A_859, %eq3A_895 : vector<32x1xi32>
      %slice3A_897 = vector.extract_strided_slice %add3A_708 {offsets = [0, 3], sizes = [32, 1], strides = [1, 1]} : vector<32x128xf32> to vector<32x1xf32>
      %get3A_898 = arith.constant 0 : index
      %get3A_899 = arith.constant 10 : index
      %get3A_900 = vector.load %arg8[%get3A_898, %get3A_899] : memref<32x128xf32, #tpu.memory_space<vmem>>, vector<32x1xf32>
      %select_n3A_901 = arith.select %eq3A_896, %slice3A_897, %get3A_900 : vector<32x1xi1>, vector<32x1xf32>
      %swap3A_902 = arith.constant 0 : index
      %swap3A_903 = arith.constant 10 : index
      %swap3A_904 = vector.load %arg8[%swap3A_902, %swap3A_903] : memref<32x128xf32, #tpu.memory_space<vmem>>, vector<32x1xf32>
      tpu.vector_store %arg8[%swap3A_902, %swap3A_903], %select_n3A_901 {strides = array<i32>} : memref<32x128xf32, #tpu.memory_space<vmem>>, vector<32x1xf32>,
      %eq3A_905 = arith.constant 0 : i32
      %eq3A_906 = vector.broadcast %eq3A_905 : i32 to vector<32x1xi32>
      %eq3A_907 = arith.cmpi eq, %get3A_859, %eq3A_906 : vector<32x1xi32>
      %slice3A_908 = vector.extract_strided_slice %add3A_708 {offsets = [0, 4], sizes = [32, 1], strides = [1, 1]} : vector<32x128xf32> to vector<32x1xf32>
      %get3A_909 = arith.constant 0 : index
      %get3A_910 = arith.constant 11 : index
      %get3A_911 = vector.load %arg8[%get3A_909, %get3A_910] : memref<32x128xf32, #tpu.memory_space<vmem>>, vector<32x1xf32>
      %select_n3A_912 = arith.select %eq3A_907, %slice3A_908, %get3A_911 : vector<32x1xi1>, vector<32x1xf32>
      %swap3A_913 = arith.constant 0 : index
      %swap3A_914 = arith.constant 11 : index
      %swap3A_915 = vector.load %arg8[%swap3A_913, %swap3A_914] : memref<32x128xf32, #tpu.memory_space<vmem>>, vector<32x1xf32>
      tpu.vector_store %arg8[%swap3A_913, %swap3A_914], %select_n3A_912 {strides = array<i32>} : memref<32x128xf32, #tpu.memory_space<vmem>>, vector<32x1xf32>,
      %get3A_916 = arith.constant 0 : index
      %get3A_917 = arith.constant 8 : index
      %get3A_918 = vector.load %arg8[%get3A_916, %get3A_917] : memref<32x128xf32, #tpu.memory_space<vmem>>, vector<32x4xf32>
      %broadcast_in_dim3A_919 = arith.constant 0.000000e+00 : f32
      %broadcast_in_dim3A_920 = vector.broadcast %broadcast_in_dim3A_919 : f32 to vector<32x124xf32>
      %concatenate3A_921 = tpu.concatenate %get3A_918, %broadcast_in_dim3A_920 in 1 : vector<32x4xf32>, vector<32x124xf32> -> vector<32x128xf32>
      %swap3A_922 = arith.constant 0 : index
      %swap3A_923 = arith.constant 0 : index
      %swap3A_924 = vector.load %arg5[%swap3A_922, %swap3A_923] : memref<32x128xf32, #tpu.memory_space<vmem>>, vector<32x128xf32>
      tpu.vector_store %arg5[%swap3A_922, %swap3A_923], %concatenate3A_921 {strides = array<i32>} : memref<32x128xf32, #tpu.memory_space<vmem>>, vector<32x128xf32>,
      %get3A_925 = arith.constant 0 : index
      %get3A_926 = arith.constant 1 : index
      %get3A_927 = vector.load %arg9[%get3A_925, %get3A_926] : memref<32x128xi32, #tpu.memory_space<vmem>>, vector<32x1xi32>
      %get3A_928 = arith.constant 0 : index
      %get3A_929 = arith.constant 0 : index
      %get3A_930 = vector.load %arg9[%get3A_928, %get3A_929] : memref<32x128xi32, #tpu.memory_space<vmem>>, vector<32x1xi32>
      %broadcast_in_dim3A_931 = arith.constant 0 : i32
      %broadcast_in_dim3A_932 = vector.broadcast %broadcast_in_dim3A_931 : i32 to vector<32x126xi32>
      %concatenate3A_933 = tpu.concatenate %get3A_927, %get3A_930, %broadcast_in_dim3A_932 in 1 : vector<32x1xi32>, vector<32x1xi32>, vector<32x126xi32> -> vector<32x128xi32>
      %swap3A_934 = arith.constant 0 : index
      %swap3A_935 = arith.constant 0 : index
      %swap3A_936 = vector.load %arg6[%swap3A_934, %swap3A_935] : memref<32x128xi32, #tpu.memory_space<vmem>>, vector<32x128xi32>
      tpu.vector_store %arg6[%swap3A_934, %swap3A_935], %concatenate3A_933 {strides = array<i32>} : memref<32x128xi32, #tpu.memory_space<vmem>>, vector<32x128xi32>,
    } else {
    }
    return
  }
  func.func @transform_0(%arg0: i32) -> (i32, i32) {
    %c0_i32 = arith.constant 0 : i32
    %c0_i32_0 = arith.constant 0 : i32
    return %c0_i32, %arg0 : i32, i32
  }
  func.func @transform_1(%arg0: i32) -> (i32, i32) {
    %c0_i32 = arith.constant 0 : i32
    %c0_i32_0 = arith.constant 0 : i32
    %c0_i32_1 = arith.constant 0 : i32
    return %c0_i32, %c0_i32_0 : i32, i32
  }
  func.func @transform_2(%arg0: i32) -> (i32, i32) {
    %c0_i32 = arith.constant 0 : i32
    %c0_i32_0 = arith.constant 0 : i32
    %c0_i32_1 = arith.constant 0 : i32
    return %c0_i32, %c0_i32_0 : i32, i32
  }
  func.func @transform_3(%arg0: i32) -> (i32, i32) {
    %c0_i32 = arith.constant 0 : i32
    %c0_i32_0 = arith.constant 0 : i32
    %c0_i32_1 = arith.constant 0 : i32
    return %c0_i32, %c0_i32_0 : i32, i32
  }
  func.func @transform_4(%arg0: i32) -> (i32, i32) {
    %c0_i32 = arith.constant 0 : i32
    %c0_i32_0 = arith.constant 0 : i32
    %c0_i32_1 = arith.constant 0 : i32
    return %c0_i32, %c0_i32_0 : i32, i32
  }
  func.func @transform_5(%arg0: i32) -> (i32, i32) {
    %c0_i32 = arith.constant 0 : i32
    %c0_i32_0 = arith.constant 0 : i32
    %c0_i32_1 = arith.constant 0 : i32
    return %c0_i32, %c0_i32_0 : i32, i32
  }
}

</mosaic_0001>

<sc_bundles>
// kernel: kernel.8.cloned.1.call-start
scs
__scs_entry_jumppad:
0x0: {  	(pc) =	sbr.rel $0x88, $3  }
0x1: {  	(tag) =	ssettag $0x0;
	lr =	simm.s32 $0x1  }
0x2: {  	[smem:$0x3F9F] =	sst lr;
	_ =	strace $0xD0000000  }
0x3: {  	_ = 	snop  }
0x4: {  	_ = 	snop  }
0x5: {  	_ = 	snop  }
0x6: {  	_ = 	snop  }
0x7: {  	_ = 	snop  }
__scs_overlays_trampoline_lowered:
0x8: {  	[smem:$0x3FAE] =	sst s0  }
0x9: {  	[smem:$0x3FAF] =	sst s1  }
0xa: {  	[smem:$0x3FB0] =	sst s2  }
0xb: {  	[smem:$0x3FB1] =	sst s3  }
0xc: {  	[smem:$0x3FB2] =	sst s4  }
0xd: {  	[smem:$0x3FB3] =	sst s5  }
0xe: {  	[smem:$0x3FB4] =	sst s6  }
0xf: {  	[smem:$0x3FB5] =	sst s7  }
0x10: {  	[smem:$0x3FB6] =	sst s8  }
0x11: {  	[smem:$0x3FB7] =	sst s9;
	s0 =	simm.s32 @!p0 $0x0  }
0x12: {  	s1 =	sld [smem:$0x3F9D];
	s0 =	simm.s32 @p0 $0x1  }
0x13: {  	[smem:$0x3FB8] =	sst s0;
	s0 =	simm.s32 @!p1 $0x0  }
0x14: {  	s2 =	sld [smem:$0x3F9C];
	s0 =	simm.s32 @p1 $0x1  }
0x15: {  	[smem:$0x3FB9] =	sst s0;
	s0 =	simm.s32 @!p2 $0x0  }
0x16: {  	s3 =	sld [smem:$0x3FDB];
	s0 =	simm.s32 @p2 $0x1  }
0x17: {  	s4 =	simm.s32 $0x1BF5;
	[smem:$0x3FBB] =	sst s0  }
0x18: {  	s0 =	sld [smem:$0x3F9E];
	_ =	swait.ge [sflag:s4], $0x0  }
0x19: {  	s7 =	sld [smem:$0x3F9F]  }
0x1a: {  	s8 =	sadd.s32 $0xFFFFE003, lr  }
0x1b: {  	s9 =	sadd.s32 $0xFFFFFEF7, lr;
	s5 =	simm.s32 $0xFFFFFFFF;
	p2 =	slt.u32 s8, $0xFFFFF086  }
0x1c: {  	p1 =	slt.u32 s9, $0xF7A;
	s5 =	simm.s32 @!p2 $0x0  }
0x1d: {  	s5 =	simm.s32 @p1 $0x1;
	p0 =	seq.s32 s7, s2  }
0x1e: {  	s7 =	smul.u32 @!p0 $0xF7A, s2;
	p2 =	seq.s32 @!p0 s5, $0x0  }
0x1f: {  	s9 =	smul.u32 $0xF7A, s1;
	s8 =	simm.s32 @!p0 $0x1BF5;
	p2 =	por !p2, p0  }
0x20: {  	[sflag:s8] =	ssyncset.s32 @!p0 $0xFFFFF086;
	s6 =	sadd.s32 @!p0 s3, s7;
	s7 =	simm.s32 @!p0 $0x108  }
0x21: {  	s3 =	sadd.s32 s3, s9;
	s6 =	sadd.s32 @!p0 $0x88, s6;
	s7 =	simm.s32 @p2 $0x1082  }
0x22: {  	[simem:s7], [sflag:s8] =	dma.local @!p0 [hbm:s6], $0xF7A  }
0x23: {  	s9 =	sor.u32 $0xD0000000, s2;
	s6 =	simm.s32 $0x108;
	_ =	swait.ge @!p0 [sflag:s8], $0x0  }
0x24: {  	s3 =	sadd.s32 $0x88, s3;
	s6 =	simm.s32 @!p1 $0x1082;
	[sflag:s4] =	ssyncset.s32 $0xFFFFF086  }
0x25: {  	[simem:s6], [sflag:s4] =	dma.local [hbm:s3], $0xF7A  }
0x26: {  	[smem:$0x3F9F] =	sst s1;
	(tag) =	ssettag s2;
	_ =	strace s9  }
0x27: {  	s1 =	sld [smem:$0x3FAF]  }
0x28: {  	s2 =	sld [smem:$0x3FB0]  }
0x29: {  	s4 =	sld [smem:$0x3FB2]  }
0x2a: {  	p0 =	seq.s32 s5, $0x0;
	s5 =	sld [smem:$0x3FB3]  }
0x2b: {  	s6 =	sld [smem:$0x3FB4]  }
0x2c: {  	s7 =	sld [smem:$0x3FB5]  }
0x2d: {  	s3 =	simm.s32 $0x108;
	s8 =	sld [smem:$0x3FB6]  }
0x2e: {  	s3 =	simm.s32 @!p0 $0x1082;
	s9 =	sld [smem:$0x3FB7]  }
0x2f: {  	lr =	sadd.s32 s0, s3;
	s0 =	sld [smem:$0x3FAE]  }
0x30: {  	s3 =	sld [smem:$0x3FB1]  }
0x31: {  	[smem:$0x3FBA] =	sst s10  }
0x32: {  	s10 =	sld [smem:$0x3FB8];
	_ =	sdelay $0x3  }
0x33: {  	p0 =	seq.s32 s10, $0x1;
	s10 =	sld [smem:$0x3FBA];
	_ =	sdelay $0x3  }
0x34: {  	[smem:$0x3FBA] =	sst s10  }
0x35: {  	s10 =	sld [smem:$0x3FB9];
	_ =	sdelay $0x3  }
0x36: {  	p1 =	seq.s32 s10, $0x1;
	s10 =	sld [smem:$0x3FBA];
	_ =	sdelay $0x3  }
0x37: {  	[smem:$0x3FBA] =	sst s10  }
0x38: {  	s10 =	sld [smem:$0x3FBB]  }
0x39: {  	_ = 	snop;
	(pc) =	sbr.ind lr, $3  }
0x3a: {  	_ = 	snop  }
0x3b: {  	_ = 	snop  }
0x3c: {  	p2 =	seq.s32 s10, $0x1;
	s10 =	sld [smem:$0x3FBA]  }
0x3d: {  	_ =	shalt  }
0x3e: {  	_ =	shalt  }
0x3f: {  	_ =	shalt  }
0x40: {  	_ =	shalt  }
0x41: {  	_ =	shalt  }
0x42: {  	_ =	shalt  }
0x43: {  	_ =	shalt  }
0x44: {  	_ =	shalt  }
0x45: {  	_ =	shalt  }
0x46: {  	_ =	shalt  }
0x47: {  	_ =	shalt  }
0x48: {  	_ =	shalt  }
0x49: {  	_ =	shalt  }
0x4a: {  	_ =	shalt  }
0x4b: {  	_ =	shalt  }
0x4c: {  	_ =	shalt  }
0x4d: {  	_ =	shalt  }
0x4e: {  	_ =	shalt  }
0x4f: {  	_ =	shalt  }
0x50: {  	_ =	shalt  }
0x51: {  	_ =	shalt  }
0x52: {  	_ =	shalt  }
0x53: {  	_ =	shalt  }
0x54: {  	_ =	shalt  }
0x55: {  	_ =	shalt  }
0x56: {  	_ =	shalt  }
0x57: {  	_ =	shalt  }
0x58: {  	_ =	shalt  }
0x59: {  	_ =	shalt  }
0x5a: {  	_ =	shalt  }
0x5b: {  	_ =	shalt  }
0x5c: {  	_ =	shalt  }
0x5d: {  	_ =	shalt  }
0x5e: {  	_ =	shalt  }
0x5f: {  	_ =	shalt  }
0x60: {  	_ =	shalt  }
0x61: {  	_ =	shalt  }
0x62: {  	_ =	shalt  }
0x63: {  	_ =	shalt  }
0x64: {  	_ =	shalt  }
0x65: {  	_ =	shalt  }
0x66: {  	_ =	shalt  }
0x67: {  	_ =	shalt  }
0x68: {  	_ =	shalt  }
0x69: {  	_ =	shalt  }
0x6a: {  	_ =	shalt  }
0x6b: {  	_ =	shalt  }
0x6c: {  	_ =	shalt  }
0x6d: {  	_ =	shalt  }
0x6e: {  	_ =	shalt  }
0x6f: {  	_ =	shalt  }
0x70: {  	_ =	shalt  }
0x71: {  	_ =	shalt  }
0x72: {  	_ =	shalt  }
0x73: {  	_ =	shalt  }
0x74: {  	_ =	shalt  }
0x75: {  	_ =	shalt  }
0x76: {  	_ =	shalt  }
0x77: {  	_ =	shalt  }
0x78: {  	_ =	shalt  }
0x79: {  	_ =	shalt  }
0x7a: {  	_ =	shalt  }
0x7b: {  	_ =	shalt  }
0x7c: {  	_ =	shalt  }
0x7d: {  	_ =	shalt  }
0x7e: {  	_ =	shalt  }
0x7f: {  	_ =	shalt  }
0x80: {  	_ =	shalt  }
0x81: {  	_ =	shalt  }
0x82: {  	_ =	shalt  }
0x83: {  	_ =	shalt  }
0x84: {  	_ =	shalt  }
0x85: {  	_ =	shalt  }
0x86: {  	_ =	shalt  }
0x87: {  	_ =	shalt  }
.Lfunc_end0:
.L_simem_size_0:
called_computation_lowered:
.L_overlay_start_0:
0x88: {  	s2 =	sld [smem:$0x3FD9]  }
0x89: {  	s3 =	sld [smem:$0x3FFE];
	_ =	sdelay $0x1  }
0x8a: {  	s1 =	srdreg.scid  }
0x8b: {  	s0 =	sand.u32 $0x1, s1  }
0x8c: {  	s14 =	sshll.u32 s0, $0xA;
	s2 =	sadd.s32 s3, s2  }
0x8d: {  	s2 =	sadd.s32 s2, s14  }
0x8e: {  	[smem:$0x3FC6] =	sst s2  }
0x8f: {  	_ = 	snop  }
0x90: {  	s2 =	sld [smem:$0x3FD0];
	_ =	sdelay $0x2  }
0x91: {  	s15 =	simm.s32 $0xA;
	s4 =	simm.s32 $0x10  }
0x92: {  	[smem:s4], [sflag:s15] =	dma.local [hbm:s2], $0x1  }
0x93: {  	_ =	swait.eq [sflag:s15], $0x1  }
0x94: {  	[sflag:s15] =	ssyncset.done $0x0  }
0x95: {  	[sflag:s15] =	ssyncadd.s32 $0xFFFFFFFF  }
0x96: {  	s16 =	sld [smem:$0x12];
	(tm) =	ssettm $0x1  }
0x97: {  	s17 =	sld [smem:$0x3FFB];
	_ =	sdelay $0x3  }
0x98: {  	_ =	strace s17  }
0x99: {  	s3 =	sld [smem:$0x3FFC];
	_ =	sdelay $0x3  }
0x9a: {  	_ =	strace s3  }
0x9b: {  	s3 =	sld [smem:$0x3FFD];
	_ =	sdelay $0x3  }
0x9c: {  	_ =	strace s3  }
0x9d: {  	_ =	strace $0x8FFFFFFF  }
0x9e: {  	s18 =	sld [smem:$0x3FDB];
	_ =	sdelay $0x1  }
0x9f: {  	s19 =	simm.s32 $_scs_section_size  }
0xa0: {  	s5 =	simm.s32 $_size__tile_overlayer_lowered;
	s6 =	simm.s32 $_tile_overlayer_lowered  }
0xa1: {  	s22 =	simm.s32 $0x1BFF;
	s21 =	sshll.u32 s6, $0x1;
	s3 =	sadd.s32 s19, s18  }
0xa2: {  	s7 =	simm.s32 $0x0;
	s20 =	sshll.u32 s5, $0x1;
	s5 =	sadd.s32 s21, s3  }
0xa3: {  	[timem:s7], [sflag:s22] =	dma.local [hbm:s5], s20  }
0xa4: {  	_ =	swait.ge [sflag:s22], s20  }
0xa5: {  	s4 =	ssub.s32 $0x0, s20;
	[sflag:s22] =	ssyncset.done $0x0  }
0xa6: {  	[sflag:s22] =	ssyncadd.s32 s4;
	_ =	sdelay $0x1  }
0xa7: {  	s23 =	simm.s32 $0x1B8B  }
0xa8: {  	_ =	swait.ge [sflag:s23], $0x1  }
0xa9: {  	[sflag:s23] =	ssyncset.done $0x0  }
0xaa: {  	s25 =	simm.s32 $0x1B8E;
	s24 =	sld [smem:$0x3FFE];
	[sflag:s23] =	ssyncadd.s32 $0xFFFFFFFF  }
0xab: {  	s26 =	simm.s32 $execute0_lowered;
	[smem:$0x3FD2] =	sst s25  }
0xac: {  	s5 =	sshll.u32 s26, $0x1;
	_ =	strace $0x80000046;
	[dreg:$0x1] =	wrdreg $0xFFFFFFFF  }
0xad: {  	s28 =	simm.s32 $_size_execute0_lowered;
	s3 =	sadd.s32 s3, s5;
	[dreg:$0x0] =	wrdreg $0x0  }
0xae: {  	s5 =	sshll.u32 s28, $0x1;
	[dreg:$0x2] =	wrdreg s3  }
0xaf: {  	[dreg:$0x3] =	wrdreg s5  }
0xb0: {  	[dreg:$0x4] =	wrdreg $0xC0  }
0xb1: {  	_ =	task [dreg:s7], $0x5FFFF  }
0xb2: {  	[dreg:$0x1] =	wrdreg $0xFFFFFFFF  }
0xb3: {  	[dreg:$0x0] =	wrdreg $0x60  }
0xb4: {  	[dreg:$0x2] =	wrdreg s24  }
0xb5: {  	[dreg:$0x3] =	wrdreg s16  }
0xb6: {  	[dreg:$0x4] =	wrdreg $0x9  }
0xb7: {  	_ =	task.clear_ibuf [dreg:s7], $0x5FFFF;
	_ =	strace $0x90000046  }
0xb8: {  	s29 =	simm.s32 $0x9;
	_ =	strace $0x80000048  }
0xb9: {  	_ =	swait.ge [sflag:s29], $0x1  }
0xba: {  	[sflag:s29] =	ssyncadd.s32 $0xFFFFFFFF  }
0xbb: {  	_ =	strace $0x90000048  }
0xbc: {  	_ =	sfence  }
0xbd: {  	s30 =	sld [smem:$0x0];
	_ =	sdelay $0x2  }
0xbe: {  	s31 =	sshll.u32 s1, $0xD;
	s1 =	sshrl.u32 s1, $0x2  }
0xbf: {  	s3 =	sand.u32 $0x4000, s31;
	s1 =	sadd.s32 s1, s30  }
0xc0: {  	s0 =	sor.u32 s3, s0;
	s1 =	sshll.u32 s1, $0x11  }
0xc1: {  	s0 =	sor.u32 s1, s0  }
0xc2: {  	s0 =	sadd.s32 $0x8F2B, s0  }
0xc3: {  	[sflag:s0] =	ssyncadd.remote.s32 $0x1  }
0xc4: {  	_ =	sfence.sel $0xFFFF  }
0xc5: {  	[dreg:$0x0] =	wrdreg $0xFFFFFFFF;
	(pc) =	sbr.abs _section_cstart, $3  }
0xc6: {  	[dreg:$0x1] =	wrdreg $0xFFFFFFFF  }
0xc7: {  	_ =	task.clear_ibuf [dreg:s7], $0x2FFFF;
	_ =	strace $0x9FFFFFFF  }
0xc8: {  	(tm) =	ssettm $0x7FFFFFFF  }
0xc9: {  	_ =	shalt  }
tec
execute0_lowered:
.L_overlay_start_1:
0x0: {  	(tag) =	ssettag $0x1  }
0x1: {  	s0 =	srdreg.scid  }
0x2: {  	s12 =	sand.u32 $0x1, s0;
	s0 =	stileid.u32  }
0x3: {  	s4 =	sshll.u32 s0, $0x1;
	s5 =	ssub.s32 $0x0, s12  }
0x4: {  	p0 =	sne.s32 s4, s5  }
.Ltmp0:
0x5: {  	_ = 	snop;
	(pc) =	sbr.rel @p0 .LBB2_4-.Ltmp0, $4  }
0x6: {  	_ = 	snop  }
0x7: {  	s2 =	rddreg [dreg:$0x0]  }
0x8: {  	s3 =	rddreg [dreg:$0x1]  }
0x9: {  	s1 =	rddreg [dreg:$0x2];
	_ =	strace $0x80000047  }
0xa: {  	s6 =	sadd.s32 $0x3D0A00, s2;
	s5 =	simm.s32 $0x0;
	s4 =	simm.s32 $0x2  }
0xb: {  	[tilespmem:s5], [sflag:$0x2] =	stream.linear.gather [hbm4b:s6+s5], $0x80, $0x38;
	[tilespmem:$0x200] =	vst v63  }
0xc: {  	_ =	swait.ge [sflag:s4], $0x80  }
0xd: {  	[sflag:s4] =	ssyncset.done $0x0  }
0xe: {  	s7 =	sadd.s32 $0x7A1400, s2;
	s8 =	simm.s32 $0x80;
	[sflag:s4] =	ssyncadd.s32 $0xFFFFFF80  }
0xf: {  	[tilespmem:s8], [sflag:$0x2] =	stream.linear.gather [hbm4b:s7+s5], $0x80, $0x38;
	[tilespmem:$0x200] =	vst v63  }
0x10: {  	_ =	swait.ge [sflag:s4], $0x80  }
0x11: {  	s9 =	simm.s32 $0x20;
	[sflag:s4] =	ssyncset.done $0x0  }
0x12: {  	s10 =	simm.s32 $0x100;
	s11 =	simm.s32 $0x1;
	[sflag:s4] =	ssyncadd.s32 $0xFFFFFF80  }
0x13: {  	[tilespmem:s10], [sflag:$0x1] =	stream.indirect.gather [hbm4b:s2+s9], $0x1, s5, s9, $0xb8;
	[tilespmem:$0x200] =	vst v63  }
0x14: {  	_ =	swait.ge [sflag:s11], $0x20  }
0x15: {  	[sflag:s11] =	ssyncset.done $0x0  }
0x16: {  	[sflag:s11] =	ssyncadd.s32 $0xFFFFFFE0  }
0x17: {  	v0 =	vld [tilespmem:$0x90]  }
0x18: {  	s12 =	ssub.s32 $0x2, s12;
	v1 =	vld [tilespmem:$0x100]  }
0x19: {  	s13 =	sshrl.u32 s12, $0x1;
	v2 =	vld [tilespmem:$0x110]  }
0x1a: {  	s12 =	ssub.s32 s12, s13;
	v3 =	vld [tilespmem:$0x80]  }
0x1b: {  	s13 =	smax.u32 s12, $0x1  }
0x1c: {  	p0 =	sne.s32 s13, $0x1  }
.Ltmp1:
0x1d: {  	_ = 	snop;
	(pc) =	sbr.rel @!p0 .LBB2_3-.Ltmp1, $4  }
0x1e: {  	v0 =	vsub.f32 v2, v0  }
0x1f: {  	v1 =	vsub.f32 v1, v3  }
0x20: {  	[tilespmem:$0x190] =	vst v0  }
0x21: {  	s12 =	simm.s32 $0x180;
	s13 =	sadd.s32 $0xFFFFFFFF, s13;
	[tilespmem:$0x180] =	vst v1  }
.LBB2_2:
0x22: {  	[hbm4b:s3+s5] =	stream.linear.scatter [tilespmem:s12], [sflag:$0x2], $0x80, $0x38;
	[tilespmem:$0x200] =	vst v63  }
0x23: {  	p0 =	sne.s32 s13, $0x1;
	s13 =	sadd.s32 $0xFFFFFFFF, s13;
	_ =	swait.ge [sflag:s4], $0x80  }
0x24: {  	[sflag:s4] =	ssyncset.done $0x0  }
0x25: {  	[sflag:s4] =	ssyncadd.s32 $0xFFFFFF80  }
0x26: {  	[tilespmem:s5], [sflag:$0x2] =	stream.linear.gather [hbm4b:s6+s5], $0x80, $0x38;
	[tilespmem:$0x200] =	vst v63  }
0x27: {  	_ =	swait.ge [sflag:s4], $0x80  }
0x28: {  	[sflag:s4] =	ssyncset.done $0x0  }
0x29: {  	[sflag:s4] =	ssyncadd.s32 $0xFFFFFF80  }
0x2a: {  	[tilespmem:s8], [sflag:$0x2] =	stream.linear.gather [hbm4b:s7+s5], $0x80, $0x38;
	[tilespmem:$0x200] =	vst v63  }
0x2b: {  	_ =	swait.ge [sflag:s4], $0x80  }
0x2c: {  	[sflag:s4] =	ssyncset.done $0x0  }
0x2d: {  	[sflag:s4] =	ssyncadd.s32 $0xFFFFFF80  }
0x2e: {  	[tilespmem:s10], [sflag:$0x1] =	stream.indirect.gather [hbm4b:s2+s9], $0x1, s5, s9, $0xb8;
	[tilespmem:$0x200] =	vst v63  }
0x2f: {  	_ =	swait.ge [sflag:s11], $0x20  }
0x30: {  	[sflag:s11] =	ssyncset.done $0x0  }
0x31: {  	[sflag:s11] =	ssyncadd.s32 $0xFFFFFFE0  }
0x32: {  	v0 =	vld [tilespmem:$0x90]  }
0x33: {  	v1 =	vld [tilespmem:$0x100]  }
0x34: {  	v2 =	vld [tilespmem:$0x110]  }
0x35: {  	v3 =	vld [tilespmem:$0x80];
	_ =	sdelay $0x2  }
.Ltmp2:
0x36: {  	(pc) =	sbr.rel @p0 .LBB2_2-.Ltmp2, $4  }
0x37: {  	v0 =	vsub.f32 v2, v0  }
0x38: {  	v1 =	vsub.f32 v1, v3  }
0x39: {  	[tilespmem:$0x190] =	vst v0  }
0x3a: {  	[tilespmem:$0x180] =	vst v1  }
.LBB2_3:
0x3b: {  	[hbm4b:s3+s5] =	stream.linear.scatter [tilespmem:s12], [sflag:$0x2], $0x80, $0x38;
	[tilespmem:$0x200] =	vst v63  }
0x3c: {  	_ =	swait.ge [sflag:s4], $0x80  }
0x3d: {  	[sflag:s4] =	ssyncset.done $0x0  }
0x3e: {  	[sflag:s4] =	ssyncadd.s32 $0xFFFFFF80  }
.LBB2_4:
0x3f: {  	_ =	sfence.sel $0x180000  }
0x40: {  	[bflag:$0x0] =	sbarrier.arrive $0xFFFF  }
0x41: {  	p0 =	sne.s32 s0, $0x0;
	_ =	strace $0x90000047  }
0x42: {  	s0 =	sadd.s32 @!p0 $0x100000, s1;
	[bflag:$0x2] =	sbarrier.arrive $0xFFFF  }
0x43: {  	[sflag:s0] =	ssyncadd.tile.s32 @!p0 $0x1;
	_ =	shalt  }
.Lfunc_end2:
_tile_overlayer_lowered:
.L_overlay_start_2:
0x44: {  	(tag) =	ssettag $0x2  }
0x45: {  	s0 =	rddreg [dreg:$0x0];
	s2 =	stileid.u32  }
0x46: {  	s1 =	rddreg [dreg:$0x1];
	p0 =	sne.s32 s2, $0x0  }
0x47: {  	s3 =	rddreg [dreg:$0x2];
	[bflag:$0x3] =	sbarrier.arrive $0xFFFF;
	s2 =	simm.s32 @!p0 $0x1C02  }
0x48: {  	[timem:s3], [sflag:s2] =	dma.local @!p0 [hbm:s0], s1  }
0x49: {  	s0 =	simm.s32 @!p0 $0x2  }
0x4a: {  	_ =	swait.ge @!p0 [sflag:s0], s1  }
0x4b: {  	s1 =	ssub.s32 @!p0 $0x0, s1;
	[sflag:s0] =	ssyncset.done @!p0 $0x0  }
0x4c: {  	[sflag:s0] =	ssyncadd.s32 @!p0 s1  }
0x4d: {  	[bflag:$0x3] =	sbarrier.arrive $0xFFFF  }
0x4e: {  	_ =	shalt  }

</sc_bundles>
